<compile_context>
chip_gen: v7x
topology: tpu7x:2x2x1
jax: 0.10.2.dev20260603
libtpu: 0.0.44.dev20260713+nightly
codegen_flags: <defaults>
</compile_context>

<pallas_src>
import functools
import math

import jax
import jax.numpy as jnp
from jax import lax
from jax.experimental import pallas as pl
from jax.experimental.pallas import tpu as pltpu
from jax.experimental.pallas import tpu_sc as plsc

VOCAB = 1000000
D = 32
L_SEQ = 200
B_ROWS = 16384
N_FLAT = B_ROWS * L_SEQ
NUM_CORES = 2
NUM_SUBCORES = 16
NW = NUM_CORES * NUM_SUBCORES
PER_W = N_FLAT // NW
NBUF = 4
CHUNK = 512
STEPS = PER_W // CHUNK
ITERS = STEPS // NBUF
SCALE = math.sqrt(float(D))

_mesh = plsc.VectorSubcoreMesh(
    core_axis_name="c", subcore_axis_name="s",
    num_cores=NUM_CORES, num_subcores=NUM_SUBCORES)


@functools.partial(
    pl.kernel,
    out_type=jax.ShapeDtypeStruct((N_FLAT, D), jnp.float32),
    mesh=_mesh,
    scratch_types=[
        [pltpu.VMEM((CHUNK,), jnp.int32) for _ in range(NBUF)],
        [pltpu.VMEM((CHUNK, D), jnp.float32) for _ in range(NBUF)],
        pltpu.VMEM((L_SEQ, D), jnp.float32),
        [pltpu.SemaphoreType.DMA for _ in range(NBUF)],
        [pltpu.SemaphoreType.DMA for _ in range(NBUF)],
    ],
    compiler_params=pltpu.CompilerParams(use_tc_tiling_on_sc=False),
)
def _emb_lookup(x_hbm, table_hbm, pos_hbm, out_hbm,
                idx_v, rows_v, pos_v, sg, so):
    wid = lax.axis_index("s") * NUM_CORES + lax.axis_index("c")
    base = wid * PER_W
    pltpu.sync_copy(pos_hbm.at[pl.ds(0, L_SEQ)], pos_v)

    def fma_chunk(rows, l):
        pv0 = pos_v[l, pl.ds(0, 16)]
        pv1 = pos_v[l, pl.ds(16, 16)]

        def rloop(q, c):
            for u in range(4):
                r = q * 4 + u
                rows[r, pl.ds(0, 16)] = rows[r, pl.ds(0, 16)] * SCALE + pv0
                rows[r, pl.ds(16, 16)] = rows[r, pl.ds(16, 16)] * SCALE + pv1
            return c
        lax.fori_loop(0, CHUNK // 4, rloop, 0)

    for b in range(2):
        pltpu.sync_copy(x_hbm.at[pl.ds(base + b * CHUNK, CHUNK)], idx_v[b])
        pltpu.async_copy(table_hbm.at[idx_v[b]], rows_v[b], sg[b])

    def ring(i, carry):
        for s in range(NBUF):
            g = i * NBUF + s
            off = base + g * CHUNK
            pltpu.make_async_copy(table_hbm.at[idx_v[s]], rows_v[s],
                                  sg[s]).wait()
            fma_chunk(rows_v[s], off // B_ROWS)
            pltpu.async_copy(rows_v[s], out_hbm.at[pl.ds(off, CHUNK)], so[s])

            t = (s + 2) % NBUF
            gp = g + 2
            offp = base + gp * CHUNK

            @pl.when(gp < STEPS)
            def _():
                @pl.when(gp >= NBUF)
                def _():
                    pltpu.make_async_copy(
                        rows_v[t],
                        out_hbm.at[pl.ds(offp - NBUF * CHUNK, CHUNK)],
                        so[t]).wait()
                pltpu.sync_copy(x_hbm.at[pl.ds(offp, CHUNK)], idx_v[t])
                pltpu.async_copy(table_hbm.at[idx_v[t]], rows_v[t], sg[t])
        return carry

    lax.fori_loop(0, ITERS, ring, 0)

    for b in range(NBUF):
        off = base + (STEPS - NBUF + b) * CHUNK
        pltpu.make_async_copy(rows_v[b], out_hbm.at[pl.ds(off, CHUNK)],
                              so[b]).wait()


def kernel(x, table, pos_encoding):
    x_lmaj = x.T.reshape(-1).astype(jnp.int32)
    out = _emb_lookup(x_lmaj, table, pos_encoding)
    return out.reshape(L_SEQ, B_ROWS, D).transpose(1, 0, 2)

# --- scband reference (transcript-rebuilt; emitter-appended) ---
"""Pipeline reference for scband-positional-embedding-61667140436325 (READ-ONLY COPY).

The authoritative reference and input builder live on the scoring server;
editing this copy changes nothing except your own understanding.
"""

import jax, jax.numpy as jnp
import numpy as np

VOCAB = 1000000
D_MODEL = 32
POS_LEN = 256
B = 16384
L = 200

def positional_encoding(length, depth):
    depth = depth / 2
    positions = np.arange(length)[:, np.newaxis]
    depths = np.arange(depth)[np.newaxis, :] / depth
    angle_rates = 1 / 10000 ** depths
    angle_rads = positions * angle_rates
    pos_encoding = np.concatenate([np.sin(angle_rads), np.cos(angle_rads)], axis=-1)
    return jnp.asarray(pos_encoding, dtype=jnp.float32)

def setup_inputs(seed: int = 0) -> dict:
    key = jax.random.key(seed)
    k1, k2 = jax.random.split(key)
    x = jax.random.randint(k1, (B, L), 0, VOCAB, dtype=jnp.int64)
    # embedding table (learned parameter), uniform init like keras Embedding default
    table = jax.random.uniform(k2, (VOCAB, D_MODEL), dtype=jnp.float32, minval=-0.05, maxval=0.05)
    pos_encoding = positional_encoding(POS_LEN, D_MODEL)
    return {"x": x, "table": table, "pos_encoding": pos_encoding}

def reference(x, table, pos_encoding):
    length = x.shape[1]
    emb = jnp.take(table, x, axis=0)  # [B, L, D]
    emb = emb * jnp.sqrt(jnp.asarray(D_MODEL, dtype=jnp.float32))
    out = emb + pos_encoding[jnp.newaxis, :length, :]
    return out

if __name__ == "__main__":
    import jax
    _d = setup_inputs()
    print(jax.jit(kernel)(*tuple(_d.values())))

</pallas_src>

<mosaic_0001>
#map = affine_map<(d0, d1) -> (0)>
#map1 = affine_map<(d0, d1) -> (0, 0)>
module attributes {stable_mosaic.version = 14 : i64} {
  func.func @_emb_lookup(%arg0: i32, %arg1: i32, %arg2: memref<3276800xi32, #tpu.memory_space<hbm>>, %arg3: memref<1000000x32xf32, #tpu.memory_space<hbm>>, %arg4: memref<256x32xf32, #tpu.memory_space<hbm>>, %arg5: memref<3276800x32xf32, #tpu.memory_space<hbm>>, %arg6: memref<512xi32, #tpu.memory_space<vmem>>, %arg7: memref<512xi32, #tpu.memory_space<vmem>>, %arg8: memref<512xi32, #tpu.memory_space<vmem>>, %arg9: memref<512xi32, #tpu.memory_space<vmem>>, %arg10: memref<512x32xf32, #tpu.memory_space<vmem>>, %arg11: memref<512x32xf32, #tpu.memory_space<vmem>>, %arg12: memref<512x32xf32, #tpu.memory_space<vmem>>, %arg13: memref<512x32xf32, #tpu.memory_space<vmem>>, %arg14: memref<200x32xf32, #tpu.memory_space<vmem>>, %arg15: memref<!tpu.dma_semaphore, #tpu.memory_space<semaphore_mem>>, %arg16: memref<!tpu.dma_semaphore, #tpu.memory_space<semaphore_mem>>, %arg17: memref<!tpu.dma_semaphore, #tpu.memory_space<semaphore_mem>>, %arg18: memref<!tpu.dma_semaphore, #tpu.memory_space<semaphore_mem>>, %arg19: memref<!tpu.dma_semaphore, #tpu.memory_space<semaphore_mem>>, %arg20: memref<!tpu.dma_semaphore, #tpu.memory_space<semaphore_mem>>, %arg21: memref<!tpu.dma_semaphore, #tpu.memory_space<semaphore_mem>>, %arg22: memref<!tpu.dma_semaphore, #tpu.memory_space<semaphore_mem>>) attributes {dimension_semantics = [#tpu.dimension_semantics<core_parallel>, #tpu.dimension_semantics<subcore_parallel>], iteration_bounds = array<i64: 2, 16>, scalar_prefetch = 0 : i64, scratch_operands = 17 : i64, tpu.core_type = #tpu.core_type<sc_vector_subcore>, window_params = [{transform_indices = #map}, {transform_indices = #map1}, {transform_indices = #map1}, {transform_indices = #map1}]} {
    %mul3A = arith.constant 2 : i32
    %mul3A_0 = arith.muli %arg1, %mul3A : i32
    %add3A = arith.addi %mul3A_0, %arg0 : i32
    %mul3A_1 = arith.constant 102400 : i32
    %mul3A_2 = arith.muli %add3A, %mul3A_1 : i32
    "tpu.region"() ({
      %run_scoped3A = tpu.sem_alloc : memref<!tpu.dma_semaphore, #tpu.memory_space<semaphore_mem>>
      %dma_start3A_40 = arith.constant 0 : i32
      %dma_start3A_41 = arith.constant 0 : i32
      %dma_start3A_42 = tpu.memref_slice %arg4[%dma_start3A_40, %dma_start3A_41] : memref<256x32xf32, #tpu.memory_space<hbm>> -> memref<200x32xf32, #tpu.memory_space<hbm>>
      %dma_start3A_43 = arith.constant 0 : i32
      %dma_start3A_44 = arith.constant 0 : i32
      %dma_start3A_45 = tpu.memref_slice %arg4[%dma_start3A_43, %dma_start3A_44] : memref<256x32xf32, #tpu.memory_space<hbm>> -> memref<200x32xf32, #tpu.memory_space<hbm>>
      tpu.enqueue_dma source(%dma_start3A_45 : memref<200x32xf32, #tpu.memory_space<hbm>>) target(%arg14 : memref<200x32xf32, #tpu.memory_space<vmem>>) target_semaphore(%run_scoped3A : memref<!tpu.dma_semaphore, #tpu.memory_space<semaphore_mem>>)
      %dma_wait3A_46 = arith.constant 0 : i32
      %dma_wait3A_47 = arith.constant 0 : i32
      %dma_wait3A_48 = tpu.memref_slice %arg4[%dma_wait3A_46, %dma_wait3A_47] : memref<256x32xf32, #tpu.memory_space<hbm>> -> memref<200x32xf32, #tpu.memory_space<hbm>>
      %dma_wait3A_49 = arith.constant 0 : i32
      %dma_wait3A_50 = arith.constant 0 : i32
      %dma_wait3A_51 = tpu.memref_slice %arg4[%dma_wait3A_49, %dma_wait3A_50] : memref<256x32xf32, #tpu.memory_space<hbm>> -> memref<200x32xf32, #tpu.memory_space<hbm>>
      tpu.wait_dma2 semaphore(%run_scoped3A : memref<!tpu.dma_semaphore, #tpu.memory_space<semaphore_mem>>) src(%dma_wait3A_51 : memref<200x32xf32, #tpu.memory_space<hbm>>) dst(%arg14 : memref<200x32xf32, #tpu.memory_space<vmem>>)
      tpu.yield
    }) : () -> ()
    %add3A_3 = arith.constant 0 : i32
    %add3A_4 = arith.addi %mul3A_2, %add3A_3 : i32
    "tpu.region"() ({
      %run_scoped3A = tpu.sem_alloc : memref<!tpu.dma_semaphore, #tpu.memory_space<semaphore_mem>>
      %dma_start3A_40 = tpu.memref_slice %arg2[%add3A_4] : memref<3276800xi32, #tpu.memory_space<hbm>> -> memref<512xi32, #tpu.memory_space<hbm>>
      %dma_start3A_41 = tpu.memref_slice %arg2[%add3A_4] : memref<3276800xi32, #tpu.memory_space<hbm>> -> memref<512xi32, #tpu.memory_space<hbm>>
      tpu.enqueue_dma source(%dma_start3A_41 : memref<512xi32, #tpu.memory_space<hbm>>) target(%arg6 : memref<512xi32, #tpu.memory_space<vmem>>) target_semaphore(%run_scoped3A : memref<!tpu.dma_semaphore, #tpu.memory_space<semaphore_mem>>)
      %dma_wait3A_42 = tpu.memref_slice %arg2[%add3A_4] : memref<3276800xi32, #tpu.memory_space<hbm>> -> memref<512xi32, #tpu.memory_space<hbm>>
      %dma_wait3A_43 = tpu.memref_slice %arg2[%add3A_4] : memref<3276800xi32, #tpu.memory_space<hbm>> -> memref<512xi32, #tpu.memory_space<hbm>>
      tpu.wait_dma2 semaphore(%run_scoped3A : memref<!tpu.dma_semaphore, #tpu.memory_space<semaphore_mem>>) src(%dma_wait3A_43 : memref<512xi32, #tpu.memory_space<hbm>>) dst(%arg6 : memref<512xi32, #tpu.memory_space<vmem>>)
      tpu.yield
    }) : () -> ()
    %dma_start3A = arith.constant 0 : i32
    %dma_start3A_5 = arith.constant 0 : i32
    %dma_start3A_6 = tpu.memref_slice %arg3[%dma_start3A, %dma_start3A_5] : memref<1000000x32xf32, #tpu.memory_space<hbm>> -> memref<1000000x32xf32, #tpu.memory_space<hbm>>
    tpu.enqueue_indirect_dma source(%dma_start3A_6 : memref<1000000x32xf32, #tpu.memory_space<hbm>>) target(%arg10 : memref<512x32xf32, #tpu.memory_space<vmem>>) offsets(%arg6 : memref<512xi32, #tpu.memory_space<vmem>>) semaphore(%arg15 : memref<!tpu.dma_semaphore, #tpu.memory_space<semaphore_mem>>)
    %add3A_7 = arith.constant 512 : i32
    %add3A_8 = arith.addi %mul3A_2, %add3A_7 : i32
    "tpu.region"() ({
      %run_scoped3A = tpu.sem_alloc : memref<!tpu.dma_semaphore, #tpu.memory_space<semaphore_mem>>
      %dma_start3A_40 = tpu.memref_slice %arg2[%add3A_8] : memref<3276800xi32, #tpu.memory_space<hbm>> -> memref<512xi32, #tpu.memory_space<hbm>>
      %dma_start3A_41 = tpu.memref_slice %arg2[%add3A_8] : memref<3276800xi32, #tpu.memory_space<hbm>> -> memref<512xi32, #tpu.memory_space<hbm>>
      tpu.enqueue_dma source(%dma_start3A_41 : memref<512xi32, #tpu.memory_space<hbm>>) target(%arg7 : memref<512xi32, #tpu.memory_space<vmem>>) target_semaphore(%run_scoped3A : memref<!tpu.dma_semaphore, #tpu.memory_space<semaphore_mem>>)
      %dma_wait3A_42 = tpu.memref_slice %arg2[%add3A_8] : memref<3276800xi32, #tpu.memory_space<hbm>> -> memref<512xi32, #tpu.memory_space<hbm>>
      %dma_wait3A_43 = tpu.memref_slice %arg2[%add3A_8] : memref<3276800xi32, #tpu.memory_space<hbm>> -> memref<512xi32, #tpu.memory_space<hbm>>
      tpu.wait_dma2 semaphore(%run_scoped3A : memref<!tpu.dma_semaphore, #tpu.memory_space<semaphore_mem>>) src(%dma_wait3A_43 : memref<512xi32, #tpu.memory_space<hbm>>) dst(%arg7 : memref<512xi32, #tpu.memory_space<vmem>>)
      tpu.yield
    }) : () -> ()
    %dma_start3A_9 = arith.constant 0 : i32
    %dma_start3A_10 = arith.constant 0 : i32
    %dma_start3A_11 = tpu.memref_slice %arg3[%dma_start3A_9, %dma_start3A_10] : memref<1000000x32xf32, #tpu.memory_space<hbm>> -> memref<1000000x32xf32, #tpu.memory_space<hbm>>
    tpu.enqueue_indirect_dma source(%dma_start3A_11 : memref<1000000x32xf32, #tpu.memory_space<hbm>>) target(%arg11 : memref<512x32xf32, #tpu.memory_space<vmem>>) offsets(%arg7 : memref<512xi32, #tpu.memory_space<vmem>>) semaphore(%arg16 : memref<!tpu.dma_semaphore, #tpu.memory_space<semaphore_mem>>)
    %scan3A = arith.constant 0 : i32
    %scan3A_12 = arith.constant 0 : i32
    %scan3A_13 = arith.constant 50 : i32
    %scan3A_14 = arith.addi %scan3A_12, %scan3A_13 : i32
    %scan3A_15 = arith.constant 1 : i32
    scf.for %scan3A_40 = %scan3A_12 to %scan3A_14 step %scan3A_15  : i32 {
      %mul3A_41 = arith.constant 4 : i32
      %mul3A_42 = arith.muli %scan3A_40, %mul3A_41 : i32
      %add3A_43 = arith.constant 0 : i32
      %add3A_44 = arith.addi %mul3A_42, %add3A_43 : i32
      %mul3A_45 = arith.constant 512 : i32
      %mul3A_46 = arith.muli %add3A_44, %mul3A_45 : i32
      %add3A_47 = arith.addi %mul3A_2, %mul3A_46 : i32
      %dma_wait3A_48 = arith.constant 0 : i32
      %dma_wait3A_49 = arith.constant 0 : i32
      %dma_wait3A_50 = tpu.memref_slice %arg3[%dma_wait3A_48, %dma_wait3A_49] : memref<1000000x32xf32, #tpu.memory_space<hbm>> -> memref<1000000x32xf32, #tpu.memory_space<hbm>>
      tpu.wait_indirect_dma semaphore(%arg15 : memref<!tpu.dma_semaphore, #tpu.memory_space<semaphore_mem>>) src(%dma_wait3A_50 : memref<1000000x32xf32, #tpu.memory_space<hbm>>) dst(%arg10 : memref<512x32xf32, #tpu.memory_space<vmem>>)
      %jit3A = arith.constant 16384 : i32
      %div3A = arith.divsi %add3A_47, %jit3A : i32
      %sign3A = arith.constant 0 : i32
      %sign3A_51 = arith.cmpi sgt, %add3A_47, %sign3A : i32
      %sign3A_52 = arith.extui %sign3A_51 : i1 to i32
      %sign3A_53 = arith.constant 0 : i32
      %sign3A_54 = arith.cmpi slt, %add3A_47, %sign3A_53 : i32
      %sign3A_55 = arith.extui %sign3A_54 : i1 to i32
      %sign3A_56 = arith.subi %sign3A_52, %sign3A_55 : i32
      %sign3A_57 = arith.constant 0 : i32
      %sign3A_58 = arith.cmpi sgt, %jit3A, %sign3A_57 : i32
      %sign3A_59 = arith.extui %sign3A_58 : i1 to i32
      %sign3A_60 = arith.constant 0 : i32
      %sign3A_61 = arith.cmpi slt, %jit3A, %sign3A_60 : i32
      %sign3A_62 = arith.extui %sign3A_61 : i1 to i32
      %sign3A_63 = arith.subi %sign3A_59, %sign3A_62 : i32
      %ne3A = arith.cmpi ne, %sign3A_56, %sign3A_63 : i32
      %rem3A = arith.remsi %add3A_47, %jit3A : i32
      %ne3A_64 = arith.constant 0 : i32
      %ne3A_65 = arith.cmpi ne, %rem3A, %ne3A_64 : i32
      %and3A = arith.andi %ne3A, %ne3A_65 : i1
      %sub3A = arith.constant 1 : i32
      %sub3A_66 = arith.subi %div3A, %sub3A : i32
      %select_n3A = arith.select %and3A, %sub3A_66, %div3A : i32
      %get3A = arith.index_cast %select_n3A : i32 to index
      %get3A_67 = arith.constant 0 : index
      %get3A_68 = tpu.vector_load %arg14[%get3A, %get3A_67] {strides = array<i32>} : memref<200x32xf32, #tpu.memory_space<vmem>>, vector<1x16xf32>,
      %get3A_69 = vector.shape_cast %get3A_68 : vector<1x16xf32> to vector<16xf32>
      %get3A_70 = arith.index_cast %select_n3A : i32 to index
      %get3A_71 = arith.constant 16 : index
      %get3A_72 = tpu.vector_load %arg14[%get3A_70, %get3A_71] {strides = array<i32>} : memref<200x32xf32, #tpu.memory_space<vmem>>, vector<1x16xf32>,
      %get3A_73 = vector.shape_cast %get3A_72 : vector<1x16xf32> to vector<16xf32>
      %scan3A_74 = arith.constant 0 : i32
      %scan3A_75 = arith.constant 0 : i32
      %scan3A_76 = arith.constant 128 : i32
      %scan3A_77 = arith.addi %scan3A_75, %scan3A_76 : i32
      %scan3A_78 = arith.constant 1 : i32
      scf.for %scan3A_277 = %scan3A_75 to %scan3A_77 step %scan3A_78  : i32 {
        %mul3A_278 = arith.constant 4 : i32
        %mul3A_279 = arith.muli %scan3A_277, %mul3A_278 : i32
        %add3A_280 = arith.constant 0 : i32
        %add3A_281 = arith.addi %mul3A_279, %add3A_280 : i32
        %get3A_282 = arith.index_cast %add3A_281 : i32 to index
        %get3A_283 = arith.constant 0 : index
        %get3A_284 = tpu.vector_load %arg10[%get3A_282, %get3A_283] {strides = array<i32>} : memref<512x32xf32, #tpu.memory_space<vmem>>, vector<1x16xf32>,
        %get3A_285 = vector.shape_cast %get3A_284 : vector<1x16xf32> to vector<16xf32>
        %mul3A_286 = arith.constant 5.65685415 : f32
        %mul3A_287 = vector.broadcast %mul3A_286 : f32 to vector<16xf32>
        %mul3A_288 = arith.mulf %get3A_285, %mul3A_287 : vector<16xf32>
        %add3A_289 = arith.addf %mul3A_288, %get3A_69 : vector<16xf32>
        %swap3A = arith.index_cast %add3A_281 : i32 to index
        %swap3A_290 = arith.constant 0 : index
        %swap3A_291 = tpu.vector_load %arg10[%swap3A, %swap3A_290] {strides = array<i32>} : memref<512x32xf32, #tpu.memory_space<vmem>>, vector<1x16xf32>,
        %swap3A_292 = vector.shape_cast %swap3A_291 : vector<1x16xf32> to vector<16xf32>
        %swap3A_293 = vector.shape_cast %add3A_289 : vector<16xf32> to vector<1x16xf32>
        tpu.vector_store %arg10[%swap3A, %swap3A_290], %swap3A_293 {strides = array<i32>} : memref<512x32xf32, #tpu.memory_space<vmem>>, vector<1x16xf32>,
        %get3A_294 = arith.index_cast %add3A_281 : i32 to index
        %get3A_295 = arith.constant 16 : index
        %get3A_296 = tpu.vector_load %arg10[%get3A_294, %get3A_295] {strides = array<i32>} : memref<512x32xf32, #tpu.memory_space<vmem>>, vector<1x16xf32>,
        %get3A_297 = vector.shape_cast %get3A_296 : vector<1x16xf32> to vector<16xf32>
        %mul3A_298 = arith.constant 5.65685415 : f32
        %mul3A_299 = vector.broadcast %mul3A_298 : f32 to vector<16xf32>
        %mul3A_300 = arith.mulf %get3A_297, %mul3A_299 : vector<16xf32>
        %add3A_301 = arith.addf %mul3A_300, %get3A_73 : vector<16xf32>
        %swap3A_302 = arith.index_cast %add3A_281 : i32 to index
        %swap3A_303 = arith.constant 16 : index
        %swap3A_304 = tpu.vector_load %arg10[%swap3A_302, %swap3A_303] {strides = array<i32>} : memref<512x32xf32, #tpu.memory_space<vmem>>, vector<1x16xf32>,
        %swap3A_305 = vector.shape_cast %swap3A_304 : vector<1x16xf32> to vector<16xf32>
        %swap3A_306 = vector.shape_cast %add3A_301 : vector<16xf32> to vector<1x16xf32>
        tpu.vector_store %arg10[%swap3A_302, %swap3A_303], %swap3A_306 {strides = array<i32>} : memref<512x32xf32, #tpu.memory_space<vmem>>, vector<1x16xf32>,
        %mul3A_307 = arith.constant 4 : i32
        %mul3A_308 = arith.muli %scan3A_277, %mul3A_307 : i32
        %add3A_309 = arith.constant 1 : i32
        %add3A_310 = arith.addi %mul3A_308, %add3A_309 : i32
        %get3A_311 = arith.index_cast %add3A_310 : i32 to index
        %get3A_312 = arith.constant 0 : index
        %get3A_313 = tpu.vector_load %arg10[%get3A_311, %get3A_312] {strides = array<i32>} : memref<512x32xf32, #tpu.memory_space<vmem>>, vector<1x16xf32>,
        %get3A_314 = vector.shape_cast %get3A_313 : vector<1x16xf32> to vector<16xf32>
        %mul3A_315 = arith.constant 5.65685415 : f32
        %mul3A_316 = vector.broadcast %mul3A_315 : f32 to vector<16xf32>
        %mul3A_317 = arith.mulf %get3A_314, %mul3A_316 : vector<16xf32>
        %add3A_318 = arith.addf %mul3A_317, %get3A_69 : vector<16xf32>
        %swap3A_319 = arith.index_cast %add3A_310 : i32 to index
        %swap3A_320 = arith.constant 0 : index
        %swap3A_321 = tpu.vector_load %arg10[%swap3A_319, %swap3A_320] {strides = array<i32>} : memref<512x32xf32, #tpu.memory_space<vmem>>, vector<1x16xf32>,
        %swap3A_322 = vector.shape_cast %swap3A_321 : vector<1x16xf32> to vector<16xf32>
        %swap3A_323 = vector.shape_cast %add3A_318 : vector<16xf32> to vector<1x16xf32>
        tpu.vector_store %arg10[%swap3A_319, %swap3A_320], %swap3A_323 {strides = array<i32>} : memref<512x32xf32, #tpu.memory_space<vmem>>, vector<1x16xf32>,
        %get3A_324 = arith.index_cast %add3A_310 : i32 to index
        %get3A_325 = arith.constant 16 : index
        %get3A_326 = tpu.vector_load %arg10[%get3A_324, %get3A_325] {strides = array<i32>} : memref<512x32xf32, #tpu.memory_space<vmem>>, vector<1x16xf32>,
        %get3A_327 = vector.shape_cast %get3A_326 : vector<1x16xf32> to vector<16xf32>
        %mul3A_328 = arith.constant 5.65685415 : f32
        %mul3A_329 = vector.broadcast %mul3A_328 : f32 to vector<16xf32>
        %mul3A_330 = arith.mulf %get3A_327, %mul3A_329 : vector<16xf32>
        %add3A_331 = arith.addf %mul3A_330, %get3A_73 : vector<16xf32>
        %swap3A_332 = arith.index_cast %add3A_310 : i32 to index
        %swap3A_333 = arith.constant 16 : index
        %swap3A_334 = tpu.vector_load %arg10[%swap3A_332, %swap3A_333] {strides = array<i32>} : memref<512x32xf32, #tpu.memory_space<vmem>>, vector<1x16xf32>,
        %swap3A_335 = vector.shape_cast %swap3A_334 : vector<1x16xf32> to vector<16xf32>
        %swap3A_336 = vector.shape_cast %add3A_331 : vector<16xf32> to vector<1x16xf32>
        tpu.vector_store %arg10[%swap3A_332, %swap3A_333], %swap3A_336 {strides = array<i32>} : memref<512x32xf32, #tpu.memory_space<vmem>>, vector<1x16xf32>,
        %mul3A_337 = arith.constant 4 : i32
        %mul3A_338 = arith.muli %scan3A_277, %mul3A_337 : i32
        %add3A_339 = arith.constant 2 : i32
        %add3A_340 = arith.addi %mul3A_338, %add3A_339 : i32
        %get3A_341 = arith.index_cast %add3A_340 : i32 to index
        %get3A_342 = arith.constant 0 : index
        %get3A_343 = tpu.vector_load %arg10[%get3A_341, %get3A_342] {strides = array<i32>} : memref<512x32xf32, #tpu.memory_space<vmem>>, vector<1x16xf32>,
        %get3A_344 = vector.shape_cast %get3A_343 : vector<1x16xf32> to vector<16xf32>
        %mul3A_345 = arith.constant 5.65685415 : f32
        %mul3A_346 = vector.broadcast %mul3A_345 : f32 to vector<16xf32>
        %mul3A_347 = arith.mulf %get3A_344, %mul3A_346 : vector<16xf32>
        %add3A_348 = arith.addf %mul3A_347, %get3A_69 : vector<16xf32>
        %swap3A_349 = arith.index_cast %add3A_340 : i32 to index
        %swap3A_350 = arith.constant 0 : index
        %swap3A_351 = tpu.vector_load %arg10[%swap3A_349, %swap3A_350] {strides = array<i32>} : memref<512x32xf32, #tpu.memory_space<vmem>>, vector<1x16xf32>,
        %swap3A_352 = vector.shape_cast %swap3A_351 : vector<1x16xf32> to vector<16xf32>
        %swap3A_353 = vector.shape_cast %add3A_348 : vector<16xf32> to vector<1x16xf32>
        tpu.vector_store %arg10[%swap3A_349, %swap3A_350], %swap3A_353 {strides = array<i32>} : memref<512x32xf32, #tpu.memory_space<vmem>>, vector<1x16xf32>,
        %get3A_354 = arith.index_cast %add3A_340 : i32 to index
        %get3A_355 = arith.constant 16 : index
        %get3A_356 = tpu.vector_load %arg10[%get3A_354, %get3A_355] {strides = array<i32>} : memref<512x32xf32, #tpu.memory_space<vmem>>, vector<1x16xf32>,
        %get3A_357 = vector.shape_cast %get3A_356 : vector<1x16xf32> to vector<16xf32>
        %mul3A_358 = arith.constant 5.65685415 : f32
        %mul3A_359 = vector.broadcast %mul3A_358 : f32 to vector<16xf32>
        %mul3A_360 = arith.mulf %get3A_357, %mul3A_359 : vector<16xf32>
        %add3A_361 = arith.addf %mul3A_360, %get3A_73 : vector<16xf32>
        %swap3A_362 = arith.index_cast %add3A_340 : i32 to index
        %swap3A_363 = arith.constant 16 : index
        %swap3A_364 = tpu.vector_load %arg10[%swap3A_362, %swap3A_363] {strides = array<i32>} : memref<512x32xf32, #tpu.memory_space<vmem>>, vector<1x16xf32>,
        %swap3A_365 = vector.shape_cast %swap3A_364 : vector<1x16xf32> to vector<16xf32>
        %swap3A_366 = vector.shape_cast %add3A_361 : vector<16xf32> to vector<1x16xf32>
        tpu.vector_store %arg10[%swap3A_362, %swap3A_363], %swap3A_366 {strides = array<i32>} : memref<512x32xf32, #tpu.memory_space<vmem>>, vector<1x16xf32>,
        %mul3A_367 = arith.constant 4 : i32
        %mul3A_368 = arith.muli %scan3A_277, %mul3A_367 : i32
        %add3A_369 = arith.constant 3 : i32
        %add3A_370 = arith.addi %mul3A_368, %add3A_369 : i32
        %get3A_371 = arith.index_cast %add3A_370 : i32 to index
        %get3A_372 = arith.constant 0 : index
        %get3A_373 = tpu.vector_load %arg10[%get3A_371, %get3A_372] {strides = array<i32>} : memref<512x32xf32, #tpu.memory_space<vmem>>, vector<1x16xf32>,
        %get3A_374 = vector.shape_cast %get3A_373 : vector<1x16xf32> to vector<16xf32>
        %mul3A_375 = arith.constant 5.65685415 : f32
        %mul3A_376 = vector.broadcast %mul3A_375 : f32 to vector<16xf32>
        %mul3A_377 = arith.mulf %get3A_374, %mul3A_376 : vector<16xf32>
        %add3A_378 = arith.addf %mul3A_377, %get3A_69 : vector<16xf32>
        %swap3A_379 = arith.index_cast %add3A_370 : i32 to index
        %swap3A_380 = arith.constant 0 : index
        %swap3A_381 = tpu.vector_load %arg10[%swap3A_379, %swap3A_380] {strides = array<i32>} : memref<512x32xf32, #tpu.memory_space<vmem>>, vector<1x16xf32>,
        %swap3A_382 = vector.shape_cast %swap3A_381 : vector<1x16xf32> to vector<16xf32>
        %swap3A_383 = vector.shape_cast %add3A_378 : vector<16xf32> to vector<1x16xf32>
        tpu.vector_store %arg10[%swap3A_379, %swap3A_380], %swap3A_383 {strides = array<i32>} : memref<512x32xf32, #tpu.memory_space<vmem>>, vector<1x16xf32>,
        %get3A_384 = arith.index_cast %add3A_370 : i32 to index
        %get3A_385 = arith.constant 16 : index
        %get3A_386 = tpu.vector_load %arg10[%get3A_384, %get3A_385] {strides = array<i32>} : memref<512x32xf32, #tpu.memory_space<vmem>>, vector<1x16xf32>,
        %get3A_387 = vector.shape_cast %get3A_386 : vector<1x16xf32> to vector<16xf32>
        %mul3A_388 = arith.constant 5.65685415 : f32
        %mul3A_389 = vector.broadcast %mul3A_388 : f32 to vector<16xf32>
        %mul3A_390 = arith.mulf %get3A_387, %mul3A_389 : vector<16xf32>
        %add3A_391 = arith.addf %mul3A_390, %get3A_73 : vector<16xf32>
        %swap3A_392 = arith.index_cast %add3A_370 : i32 to index
        %swap3A_393 = arith.constant 16 : index
        %swap3A_394 = tpu.vector_load %arg10[%swap3A_392, %swap3A_393] {strides = array<i32>} : memref<512x32xf32, #tpu.memory_space<vmem>>, vector<1x16xf32>,
        %swap3A_395 = vector.shape_cast %swap3A_394 : vector<1x16xf32> to vector<16xf32>
        %swap3A_396 = vector.shape_cast %add3A_391 : vector<16xf32> to vector<1x16xf32>
        tpu.vector_store %arg10[%swap3A_392, %swap3A_393], %swap3A_396 {strides = array<i32>} : memref<512x32xf32, #tpu.memory_space<vmem>>, vector<1x16xf32>,
      }
      %scan3A_79 = arith.constant 128 : i32
      %dma_start3A_80 = arith.constant 0 : i32
      %dma_start3A_81 = tpu.memref_slice %arg5[%add3A_47, %dma_start3A_80] : memref<3276800x32xf32, #tpu.memory_space<hbm>> -> memref<512x32xf32, #tpu.memory_space<hbm>>
      %dma_start3A_82 = arith.constant 0 : i32
      %dma_start3A_83 = tpu.memref_slice %arg5[%add3A_47, %dma_start3A_82] : memref<3276800x32xf32, #tpu.memory_space<hbm>> -> memref<512x32xf32, #tpu.memory_space<hbm>>
      tpu.enqueue_dma source(%arg10 : memref<512x32xf32, #tpu.memory_space<vmem>>) target(%dma_start3A_83 : memref<512x32xf32, #tpu.memory_space<hbm>>) target_semaphore(%arg19 : memref<!tpu.dma_semaphore, #tpu.memory_space<semaphore_mem>>)
      %add3A_84 = arith.constant 2 : i32
      %add3A_85 = arith.addi %add3A_44, %add3A_84 : i32
      %mul3A_86 = arith.constant 512 : i32
      %mul3A_87 = arith.muli %add3A_85, %mul3A_86 : i32
      %add3A_88 = arith.addi %mul3A_2, %mul3A_87 : i32
      %lt3A = arith.constant 200 : i32
      %lt3A_89 = arith.cmpi slt, %add3A_85, %lt3A : i32
      %convert_element_type3A = arith.extui %lt3A_89 : i1 to i32
      %cond3A = arith.constant 0 : i32
      %cond3A_90 = arith.cmpi ne, %convert_element_type3A, %cond3A : i32
      scf.if %cond3A_90 {
        %ge3A = arith.constant 4 : i32
        %ge3A_277 = arith.cmpi sge, %add3A_85, %ge3A : i32
        %convert_element_type3A_278 = arith.extui %ge3A_277 : i1 to i32
        %cond3A_279 = arith.constant 0 : i32
        %cond3A_280 = arith.cmpi ne, %convert_element_type3A_278, %cond3A_279 : i32
        scf.if %cond3A_280 {
          %sub3A_284 = arith.constant 2048 : i32
          %sub3A_285 = arith.subi %add3A_88, %sub3A_284 : i32
          %dma_wait3A_286 = arith.constant 0 : i32
          %dma_wait3A_287 = tpu.memref_slice %arg5[%sub3A_285, %dma_wait3A_286] : memref<3276800x32xf32, #tpu.memory_space<hbm>> -> memref<512x32xf32, #tpu.memory_space<hbm>>
          %dma_wait3A_288 = arith.constant 0 : i32
          %dma_wait3A_289 = tpu.memref_slice %arg5[%sub3A_285, %dma_wait3A_288] : memref<3276800x32xf32, #tpu.memory_space<hbm>> -> memref<512x32xf32, #tpu.memory_space<hbm>>
          tpu.wait_dma2 semaphore(%arg21 : memref<!tpu.dma_semaphore, #tpu.memory_space<semaphore_mem>>) src(%arg12 : memref<512x32xf32, #tpu.memory_space<vmem>>) dst(%dma_wait3A_289 : memref<512x32xf32, #tpu.memory_space<hbm>>)
        } else {
        }
        "tpu.region"() ({
          %run_scoped3A = tpu.sem_alloc : memref<!tpu.dma_semaphore, #tpu.memory_space<semaphore_mem>>
          %dma_start3A_284 = tpu.memref_slice %arg2[%add3A_88] : memref<3276800xi32, #tpu.memory_space<hbm>> -> memref<512xi32, #tpu.memory_space<hbm>>
          %dma_start3A_285 = tpu.memref_slice %arg2[%add3A_88] : memref<3276800xi32, #tpu.memory_space<hbm>> -> memref<512xi32, #tpu.memory_space<hbm>>
          tpu.enqueue_dma source(%dma_start3A_285 : memref<512xi32, #tpu.memory_space<hbm>>) target(%arg8 : memref<512xi32, #tpu.memory_space<vmem>>) target_semaphore(%run_scoped3A : memref<!tpu.dma_semaphore, #tpu.memory_space<semaphore_mem>>)
          %dma_wait3A_286 = tpu.memref_slice %arg2[%add3A_88] : memref<3276800xi32, #tpu.memory_space<hbm>> -> memref<512xi32, #tpu.memory_space<hbm>>
          %dma_wait3A_287 = tpu.memref_slice %arg2[%add3A_88] : memref<3276800xi32, #tpu.memory_space<hbm>> -> memref<512xi32, #tpu.memory_space<hbm>>
          tpu.wait_dma2 semaphore(%run_scoped3A : memref<!tpu.dma_semaphore, #tpu.memory_space<semaphore_mem>>) src(%dma_wait3A_287 : memref<512xi32, #tpu.memory_space<hbm>>) dst(%arg8 : memref<512xi32, #tpu.memory_space<vmem>>)
          tpu.yield
        }) : () -> ()
        %dma_start3A_281 = arith.constant 0 : i32
        %dma_start3A_282 = arith.constant 0 : i32
        %dma_start3A_283 = tpu.memref_slice %arg3[%dma_start3A_281, %dma_start3A_282] : memref<1000000x32xf32, #tpu.memory_space<hbm>> -> memref<1000000x32xf32, #tpu.memory_space<hbm>>
        tpu.enqueue_indirect_dma source(%dma_start3A_283 : memref<1000000x32xf32, #tpu.memory_space<hbm>>) target(%arg12 : memref<512x32xf32, #tpu.memory_space<vmem>>) offsets(%arg8 : memref<512xi32, #tpu.memory_space<vmem>>) semaphore(%arg17 : memref<!tpu.dma_semaphore, #tpu.memory_space<semaphore_mem>>)
      } else {
      }
      %mul3A_91 = arith.constant 4 : i32
      %mul3A_92 = arith.muli %scan3A_40, %mul3A_91 : i32
      %add3A_93 = arith.constant 1 : i32
      %add3A_94 = arith.addi %mul3A_92, %add3A_93 : i32
      %mul3A_95 = arith.constant 512 : i32
      %mul3A_96 = arith.muli %add3A_94, %mul3A_95 : i32
      %add3A_97 = arith.addi %mul3A_2, %mul3A_96 : i32
      %dma_wait3A_98 = arith.constant 0 : i32
      %dma_wait3A_99 = arith.constant 0 : i32
      %dma_wait3A_100 = tpu.memref_slice %arg3[%dma_wait3A_98, %dma_wait3A_99] : memref<1000000x32xf32, #tpu.memory_space<hbm>> -> memref<1000000x32xf32, #tpu.memory_space<hbm>>
      tpu.wait_indirect_dma semaphore(%arg16 : memref<!tpu.dma_semaphore, #tpu.memory_space<semaphore_mem>>) src(%dma_wait3A_100 : memref<1000000x32xf32, #tpu.memory_space<hbm>>) dst(%arg11 : memref<512x32xf32, #tpu.memory_space<vmem>>)
      %jit3A_101 = arith.constant 16384 : i32
      %div3A_102 = arith.divsi %add3A_97, %jit3A_101 : i32
      %sign3A_103 = arith.constant 0 : i32
      %sign3A_104 = arith.cmpi sgt, %add3A_97, %sign3A_103 : i32
      %sign3A_105 = arith.extui %sign3A_104 : i1 to i32
      %sign3A_106 = arith.constant 0 : i32
      %sign3A_107 = arith.cmpi slt, %add3A_97, %sign3A_106 : i32
      %sign3A_108 = arith.extui %sign3A_107 : i1 to i32
      %sign3A_109 = arith.subi %sign3A_105, %sign3A_108 : i32
      %sign3A_110 = arith.constant 0 : i32
      %sign3A_111 = arith.cmpi sgt, %jit3A_101, %sign3A_110 : i32
      %sign3A_112 = arith.extui %sign3A_111 : i1 to i32
      %sign3A_113 = arith.constant 0 : i32
      %sign3A_114 = arith.cmpi slt, %jit3A_101, %sign3A_113 : i32
      %sign3A_115 = arith.extui %sign3A_114 : i1 to i32
      %sign3A_116 = arith.subi %sign3A_112, %sign3A_115 : i32
      %ne3A_117 = arith.cmpi ne, %sign3A_109, %sign3A_116 : i32
      %rem3A_118 = arith.remsi %add3A_97, %jit3A_101 : i32
      %ne3A_119 = arith.constant 0 : i32
      %ne3A_120 = arith.cmpi ne, %rem3A_118, %ne3A_119 : i32
      %and3A_121 = arith.andi %ne3A_117, %ne3A_120 : i1
      %sub3A_122 = arith.constant 1 : i32
      %sub3A_123 = arith.subi %div3A_102, %sub3A_122 : i32
      %select_n3A_124 = arith.select %and3A_121, %sub3A_123, %div3A_102 : i32
      %get3A_125 = arith.index_cast %select_n3A_124 : i32 to index
      %get3A_126 = arith.constant 0 : index
      %get3A_127 = tpu.vector_load %arg14[%get3A_125, %get3A_126] {strides = array<i32>} : memref<200x32xf32, #tpu.memory_space<vmem>>, vector<1x16xf32>,
      %get3A_128 = vector.shape_cast %get3A_127 : vector<1x16xf32> to vector<16xf32>
      %get3A_129 = arith.index_cast %select_n3A_124 : i32 to index
      %get3A_130 = arith.constant 16 : index
      %get3A_131 = tpu.vector_load %arg14[%get3A_129, %get3A_130] {strides = array<i32>} : memref<200x32xf32, #tpu.memory_space<vmem>>, vector<1x16xf32>,
      %get3A_132 = vector.shape_cast %get3A_131 : vector<1x16xf32> to vector<16xf32>
      %scan3A_133 = arith.constant 0 : i32
      %scan3A_134 = arith.constant 0 : i32
      %scan3A_135 = arith.constant 128 : i32
      %scan3A_136 = arith.addi %scan3A_134, %scan3A_135 : i32
      %scan3A_137 = arith.constant 1 : i32
      scf.for %scan3A_277 = %scan3A_134 to %scan3A_136 step %scan3A_137  : i32 {
        %mul3A_278 = arith.constant 4 : i32
        %mul3A_279 = arith.muli %scan3A_277, %mul3A_278 : i32
        %add3A_280 = arith.constant 0 : i32
        %add3A_281 = arith.addi %mul3A_279, %add3A_280 : i32
        %get3A_282 = arith.index_cast %add3A_281 : i32 to index
        %get3A_283 = arith.constant 0 : index
        %get3A_284 = tpu.vector_load %arg11[%get3A_282, %get3A_283] {strides = array<i32>} : memref<512x32xf32, #tpu.memory_space<vmem>>, vector<1x16xf32>,
        %get3A_285 = vector.shape_cast %get3A_284 : vector<1x16xf32> to vector<16xf32>
        %mul3A_286 = arith.constant 5.65685415 : f32
        %mul3A_287 = vector.broadcast %mul3A_286 : f32 to vector<16xf32>
        %mul3A_288 = arith.mulf %get3A_285, %mul3A_287 : vector<16xf32>
        %add3A_289 = arith.addf %mul3A_288, %get3A_128 : vector<16xf32>
        %swap3A = arith.index_cast %add3A_281 : i32 to index
        %swap3A_290 = arith.constant 0 : index
        %swap3A_291 = tpu.vector_load %arg11[%swap3A, %swap3A_290] {strides = array<i32>} : memref<512x32xf32, #tpu.memory_space<vmem>>, vector<1x16xf32>,
        %swap3A_292 = vector.shape_cast %swap3A_291 : vector<1x16xf32> to vector<16xf32>
        %swap3A_293 = vector.shape_cast %add3A_289 : vector<16xf32> to vector<1x16xf32>
        tpu.vector_store %arg11[%swap3A, %swap3A_290], %swap3A_293 {strides = array<i32>} : memref<512x32xf32, #tpu.memory_space<vmem>>, vector<1x16xf32>,
        %get3A_294 = arith.index_cast %add3A_281 : i32 to index
        %get3A_295 = arith.constant 16 : index
        %get3A_296 = tpu.vector_load %arg11[%get3A_294, %get3A_295] {strides = array<i32>} : memref<512x32xf32, #tpu.memory_space<vmem>>, vector<1x16xf32>,
        %get3A_297 = vector.shape_cast %get3A_296 : vector<1x16xf32> to vector<16xf32>
        %mul3A_298 = arith.constant 5.65685415 : f32
        %mul3A_299 = vector.broadcast %mul3A_298 : f32 to vector<16xf32>
        %mul3A_300 = arith.mulf %get3A_297, %mul3A_299 : vector<16xf32>
        %add3A_301 = arith.addf %mul3A_300, %get3A_132 : vector<16xf32>
        %swap3A_302 = arith.index_cast %add3A_281 : i32 to index
        %swap3A_303 = arith.constant 16 : index
        %swap3A_304 = tpu.vector_load %arg11[%swap3A_302, %swap3A_303] {strides = array<i32>} : memref<512x32xf32, #tpu.memory_space<vmem>>, vector<1x16xf32>,
        %swap3A_305 = vector.shape_cast %swap3A_304 : vector<1x16xf32> to vector<16xf32>
        %swap3A_306 = vector.shape_cast %add3A_301 : vector<16xf32> to vector<1x16xf32>
        tpu.vector_store %arg11[%swap3A_302, %swap3A_303], %swap3A_306 {strides = array<i32>} : memref<512x32xf32, #tpu.memory_space<vmem>>, vector<1x16xf32>,
        %mul3A_307 = arith.constant 4 : i32
        %mul3A_308 = arith.muli %scan3A_277, %mul3A_307 : i32
        %add3A_309 = arith.constant 1 : i32
        %add3A_310 = arith.addi %mul3A_308, %add3A_309 : i32
        %get3A_311 = arith.index_cast %add3A_310 : i32 to index
        %get3A_312 = arith.constant 0 : index
        %get3A_313 = tpu.vector_load %arg11[%get3A_311, %get3A_312] {strides = array<i32>} : memref<512x32xf32, #tpu.memory_space<vmem>>, vector<1x16xf32>,
        %get3A_314 = vector.shape_cast %get3A_313 : vector<1x16xf32> to vector<16xf32>
        %mul3A_315 = arith.constant 5.65685415 : f32
        %mul3A_316 = vector.broadcast %mul3A_315 : f32 to vector<16xf32>
        %mul3A_317 = arith.mulf %get3A_314, %mul3A_316 : vector<16xf32>
        %add3A_318 = arith.addf %mul3A_317, %get3A_128 : vector<16xf32>
        %swap3A_319 = arith.index_cast %add3A_310 : i32 to index
        %swap3A_320 = arith.constant 0 : index
        %swap3A_321 = tpu.vector_load %arg11[%swap3A_319, %swap3A_320] {strides = array<i32>} : memref<512x32xf32, #tpu.memory_space<vmem>>, vector<1x16xf32>,
        %swap3A_322 = vector.shape_cast %swap3A_321 : vector<1x16xf32> to vector<16xf32>
        %swap3A_323 = vector.shape_cast %add3A_318 : vector<16xf32> to vector<1x16xf32>
        tpu.vector_store %arg11[%swap3A_319, %swap3A_320], %swap3A_323 {strides = array<i32>} : memref<512x32xf32, #tpu.memory_space<vmem>>, vector<1x16xf32>,
        %get3A_324 = arith.index_cast %add3A_310 : i32 to index
        %get3A_325 = arith.constant 16 : index
        %get3A_326 = tpu.vector_load %arg11[%get3A_324, %get3A_325] {strides = array<i32>} : memref<512x32xf32, #tpu.memory_space<vmem>>, vector<1x16xf32>,
        %get3A_327 = vector.shape_cast %get3A_326 : vector<1x16xf32> to vector<16xf32>
        %mul3A_328 = arith.constant 5.65685415 : f32
        %mul3A_329 = vector.broadcast %mul3A_328 : f32 to vector<16xf32>
        %mul3A_330 = arith.mulf %get3A_327, %mul3A_329 : vector<16xf32>
        %add3A_331 = arith.addf %mul3A_330, %get3A_132 : vector<16xf32>
        %swap3A_332 = arith.index_cast %add3A_310 : i32 to index
        %swap3A_333 = arith.constant 16 : index
        %swap3A_334 = tpu.vector_load %arg11[%swap3A_332, %swap3A_333] {strides = array<i32>} : memref<512x32xf32, #tpu.memory_space<vmem>>, vector<1x16xf32>,
        %swap3A_335 = vector.shape_cast %swap3A_334 : vector<1x16xf32> to vector<16xf32>
        %swap3A_336 = vector.shape_cast %add3A_331 : vector<16xf32> to vector<1x16xf32>
        tpu.vector_store %arg11[%swap3A_332, %swap3A_333], %swap3A_336 {strides = array<i32>} : memref<512x32xf32, #tpu.memory_space<vmem>>, vector<1x16xf32>,
        %mul3A_337 = arith.constant 4 : i32
        %mul3A_338 = arith.muli %scan3A_277, %mul3A_337 : i32
        %add3A_339 = arith.constant 2 : i32
        %add3A_340 = arith.addi %mul3A_338, %add3A_339 : i32
        %get3A_341 = arith.index_cast %add3A_340 : i32 to index
        %get3A_342 = arith.constant 0 : index
        %get3A_343 = tpu.vector_load %arg11[%get3A_341, %get3A_342] {strides = array<i32>} : memref<512x32xf32, #tpu.memory_space<vmem>>, vector<1x16xf32>,
        %get3A_344 = vector.shape_cast %get3A_343 : vector<1x16xf32> to vector<16xf32>
        %mul3A_345 = arith.constant 5.65685415 : f32
        %mul3A_346 = vector.broadcast %mul3A_345 : f32 to vector<16xf32>
        %mul3A_347 = arith.mulf %get3A_344, %mul3A_346 : vector<16xf32>
        %add3A_348 = arith.addf %mul3A_347, %get3A_128 : vector<16xf32>
        %swap3A_349 = arith.index_cast %add3A_340 : i32 to index
        %swap3A_350 = arith.constant 0 : index
        %swap3A_351 = tpu.vector_load %arg11[%swap3A_349, %swap3A_350] {strides = array<i32>} : memref<512x32xf32, #tpu.memory_space<vmem>>, vector<1x16xf32>,
        %swap3A_352 = vector.shape_cast %swap3A_351 : vector<1x16xf32> to vector<16xf32>
        %swap3A_353 = vector.shape_cast %add3A_348 : vector<16xf32> to vector<1x16xf32>
        tpu.vector_store %arg11[%swap3A_349, %swap3A_350], %swap3A_353 {strides = array<i32>} : memref<512x32xf32, #tpu.memory_space<vmem>>, vector<1x16xf32>,
        %get3A_354 = arith.index_cast %add3A_340 : i32 to index
        %get3A_355 = arith.constant 16 : index
        %get3A_356 = tpu.vector_load %arg11[%get3A_354, %get3A_355] {strides = array<i32>} : memref<512x32xf32, #tpu.memory_space<vmem>>, vector<1x16xf32>,
        %get3A_357 = vector.shape_cast %get3A_356 : vector<1x16xf32> to vector<16xf32>
        %mul3A_358 = arith.constant 5.65685415 : f32
        %mul3A_359 = vector.broadcast %mul3A_358 : f32 to vector<16xf32>
        %mul3A_360 = arith.mulf %get3A_357, %mul3A_359 : vector<16xf32>
        %add3A_361 = arith.addf %mul3A_360, %get3A_132 : vector<16xf32>
        %swap3A_362 = arith.index_cast %add3A_340 : i32 to index
        %swap3A_363 = arith.constant 16 : index
        %swap3A_364 = tpu.vector_load %arg11[%swap3A_362, %swap3A_363] {strides = array<i32>} : memref<512x32xf32, #tpu.memory_space<vmem>>, vector<1x16xf32>,
        %swap3A_365 = vector.shape_cast %swap3A_364 : vector<1x16xf32> to vector<16xf32>
        %swap3A_366 = vector.shape_cast %add3A_361 : vector<16xf32> to vector<1x16xf32>
        tpu.vector_store %arg11[%swap3A_362, %swap3A_363], %swap3A_366 {strides = array<i32>} : memref<512x32xf32, #tpu.memory_space<vmem>>, vector<1x16xf32>,
        %mul3A_367 = arith.constant 4 : i32
        %mul3A_368 = arith.muli %scan3A_277, %mul3A_367 : i32
        %add3A_369 = arith.constant 3 : i32
        %add3A_370 = arith.addi %mul3A_368, %add3A_369 : i32
        %get3A_371 = arith.index_cast %add3A_370 : i32 to index
        %get3A_372 = arith.constant 0 : index
        %get3A_373 = tpu.vector_load %arg11[%get3A_371, %get3A_372] {strides = array<i32>} : memref<512x32xf32, #tpu.memory_space<vmem>>, vector<1x16xf32>,
        %get3A_374 = vector.shape_cast %get3A_373 : vector<1x16xf32> to vector<16xf32>
        %mul3A_375 = arith.constant 5.65685415 : f32
        %mul3A_376 = vector.broadcast %mul3A_375 : f32 to vector<16xf32>
        %mul3A_377 = arith.mulf %get3A_374, %mul3A_376 : vector<16xf32>
        %add3A_378 = arith.addf %mul3A_377, %get3A_128 : vector<16xf32>
        %swap3A_379 = arith.index_cast %add3A_370 : i32 to index
        %swap3A_380 = arith.constant 0 : index
        %swap3A_381 = tpu.vector_load %arg11[%swap3A_379, %swap3A_380] {strides = array<i32>} : memref<512x32xf32, #tpu.memory_space<vmem>>, vector<1x16xf32>,
        %swap3A_382 = vector.shape_cast %swap3A_381 : vector<1x16xf32> to vector<16xf32>
        %swap3A_383 = vector.shape_cast %add3A_378 : vector<16xf32> to vector<1x16xf32>
        tpu.vector_store %arg11[%swap3A_379, %swap3A_380], %swap3A_383 {strides = array<i32>} : memref<512x32xf32, #tpu.memory_space<vmem>>, vector<1x16xf32>,
        %get3A_384 = arith.index_cast %add3A_370 : i32 to index
        %get3A_385 = arith.constant 16 : index
        %get3A_386 = tpu.vector_load %arg11[%get3A_384, %get3A_385] {strides = array<i32>} : memref<512x32xf32, #tpu.memory_space<vmem>>, vector<1x16xf32>,
        %get3A_387 = vector.shape_cast %get3A_386 : vector<1x16xf32> to vector<16xf32>
        %mul3A_388 = arith.constant 5.65685415 : f32
        %mul3A_389 = vector.broadcast %mul3A_388 : f32 to vector<16xf32>
        %mul3A_390 = arith.mulf %get3A_387, %mul3A_389 : vector<16xf32>
        %add3A_391 = arith.addf %mul3A_390, %get3A_132 : vector<16xf32>
        %swap3A_392 = arith.index_cast %add3A_370 : i32 to index
        %swap3A_393 = arith.constant 16 : index
        %swap3A_394 = tpu.vector_load %arg11[%swap3A_392, %swap3A_393] {strides = array<i32>} : memref<512x32xf32, #tpu.memory_space<vmem>>, vector<1x16xf32>,
        %swap3A_395 = vector.shape_cast %swap3A_394 : vector<1x16xf32> to vector<16xf32>
        %swap3A_396 = vector.shape_cast %add3A_391 : vector<16xf32> to vector<1x16xf32>
        tpu.vector_store %arg11[%swap3A_392, %swap3A_393], %swap3A_396 {strides = array<i32>} : memref<512x32xf32, #tpu.memory_space<vmem>>, vector<1x16xf32>,
      }
      %scan3A_138 = arith.constant 128 : i32
      %dma_start3A_139 = arith.constant 0 : i32
      %dma_start3A_140 = tpu.memref_slice %arg5[%add3A_97, %dma_start3A_139] : memref<3276800x32xf32, #tpu.memory_space<hbm>> -> memref<512x32xf32, #tpu.memory_space<hbm>>
      %dma_start3A_141 = arith.constant 0 : i32
      %dma_start3A_142 = tpu.memref_slice %arg5[%add3A_97, %dma_start3A_141] : memref<3276800x32xf32, #tpu.memory_space<hbm>> -> memref<512x32xf32, #tpu.memory_space<hbm>>
      tpu.enqueue_dma source(%arg11 : memref<512x32xf32, #tpu.memory_space<vmem>>) target(%dma_start3A_142 : memref<512x32xf32, #tpu.memory_space<hbm>>) target_semaphore(%arg20 : memref<!tpu.dma_semaphore, #tpu.memory_space<semaphore_mem>>)
      %add3A_143 = arith.constant 2 : i32
      %add3A_144 = arith.addi %add3A_94, %add3A_143 : i32
      %mul3A_145 = arith.constant 512 : i32
      %mul3A_146 = arith.muli %add3A_144, %mul3A_145 : i32
      %add3A_147 = arith.addi %mul3A_2, %mul3A_146 : i32
      %lt3A_148 = arith.constant 200 : i32
      %lt3A_149 = arith.cmpi slt, %add3A_144, %lt3A_148 : i32
      %convert_element_type3A_150 = arith.extui %lt3A_149 : i1 to i32
      %cond3A_151 = arith.constant 0 : i32
      %cond3A_152 = arith.cmpi ne, %convert_element_type3A_150, %cond3A_151 : i32
      scf.if %cond3A_152 {
        %ge3A = arith.constant 4 : i32
        %ge3A_277 = arith.cmpi sge, %add3A_144, %ge3A : i32
        %convert_element_type3A_278 = arith.extui %ge3A_277 : i1 to i32
        %cond3A_279 = arith.constant 0 : i32
        %cond3A_280 = arith.cmpi ne, %convert_element_type3A_278, %cond3A_279 : i32
        scf.if %cond3A_280 {
          %sub3A_284 = arith.constant 2048 : i32
          %sub3A_285 = arith.subi %add3A_147, %sub3A_284 : i32
          %dma_wait3A_286 = arith.constant 0 : i32
          %dma_wait3A_287 = tpu.memref_slice %arg5[%sub3A_285, %dma_wait3A_286] : memref<3276800x32xf32, #tpu.memory_space<hbm>> -> memref<512x32xf32, #tpu.memory_space<hbm>>
          %dma_wait3A_288 = arith.constant 0 : i32
          %dma_wait3A_289 = tpu.memref_slice %arg5[%sub3A_285, %dma_wait3A_288] : memref<3276800x32xf32, #tpu.memory_space<hbm>> -> memref<512x32xf32, #tpu.memory_space<hbm>>
          tpu.wait_dma2 semaphore(%arg22 : memref<!tpu.dma_semaphore, #tpu.memory_space<semaphore_mem>>) src(%arg13 : memref<512x32xf32, #tpu.memory_space<vmem>>) dst(%dma_wait3A_289 : memref<512x32xf32, #tpu.memory_space<hbm>>)
        } else {
        }
        "tpu.region"() ({
          %run_scoped3A = tpu.sem_alloc : memref<!tpu.dma_semaphore, #tpu.memory_space<semaphore_mem>>
          %dma_start3A_284 = tpu.memref_slice %arg2[%add3A_147] : memref<3276800xi32, #tpu.memory_space<hbm>> -> memref<512xi32, #tpu.memory_space<hbm>>
          %dma_start3A_285 = tpu.memref_slice %arg2[%add3A_147] : memref<3276800xi32, #tpu.memory_space<hbm>> -> memref<512xi32, #tpu.memory_space<hbm>>
          tpu.enqueue_dma source(%dma_start3A_285 : memref<512xi32, #tpu.memory_space<hbm>>) target(%arg9 : memref<512xi32, #tpu.memory_space<vmem>>) target_semaphore(%run_scoped3A : memref<!tpu.dma_semaphore, #tpu.memory_space<semaphore_mem>>)
          %dma_wait3A_286 = tpu.memref_slice %arg2[%add3A_147] : memref<3276800xi32, #tpu.memory_space<hbm>> -> memref<512xi32, #tpu.memory_space<hbm>>
          %dma_wait3A_287 = tpu.memref_slice %arg2[%add3A_147] : memref<3276800xi32, #tpu.memory_space<hbm>> -> memref<512xi32, #tpu.memory_space<hbm>>
          tpu.wait_dma2 semaphore(%run_scoped3A : memref<!tpu.dma_semaphore, #tpu.memory_space<semaphore_mem>>) src(%dma_wait3A_287 : memref<512xi32, #tpu.memory_space<hbm>>) dst(%arg9 : memref<512xi32, #tpu.memory_space<vmem>>)
          tpu.yield
        }) : () -> ()
        %dma_start3A_281 = arith.constant 0 : i32
        %dma_start3A_282 = arith.constant 0 : i32
        %dma_start3A_283 = tpu.memref_slice %arg3[%dma_start3A_281, %dma_start3A_282] : memref<1000000x32xf32, #tpu.memory_space<hbm>> -> memref<1000000x32xf32, #tpu.memory_space<hbm>>
        tpu.enqueue_indirect_dma source(%dma_start3A_283 : memref<1000000x32xf32, #tpu.memory_space<hbm>>) target(%arg13 : memref<512x32xf32, #tpu.memory_space<vmem>>) offsets(%arg9 : memref<512xi32, #tpu.memory_space<vmem>>) semaphore(%arg18 : memref<!tpu.dma_semaphore, #tpu.memory_space<semaphore_mem>>)
      } else {
      }
      %mul3A_153 = arith.constant 4 : i32
      %mul3A_154 = arith.muli %scan3A_40, %mul3A_153 : i32
      %add3A_155 = arith.constant 2 : i32
      %add3A_156 = arith.addi %mul3A_154, %add3A_155 : i32
      %mul3A_157 = arith.constant 512 : i32
      %mul3A_158 = arith.muli %add3A_156, %mul3A_157 : i32
      %add3A_159 = arith.addi %mul3A_2, %mul3A_158 : i32
      %dma_wait3A_160 = arith.constant 0 : i32
      %dma_wait3A_161 = arith.constant 0 : i32
      %dma_wait3A_162 = tpu.memref_slice %arg3[%dma_wait3A_160, %dma_wait3A_161] : memref<1000000x32xf32, #tpu.memory_space<hbm>> -> memref<1000000x32xf32, #tpu.memory_space<hbm>>
      tpu.wait_indirect_dma semaphore(%arg17 : memref<!tpu.dma_semaphore, #tpu.memory_space<semaphore_mem>>) src(%dma_wait3A_162 : memref<1000000x32xf32, #tpu.memory_space<hbm>>) dst(%arg12 : memref<512x32xf32, #tpu.memory_space<vmem>>)
      %jit3A_163 = arith.constant 16384 : i32
      %div3A_164 = arith.divsi %add3A_159, %jit3A_163 : i32
      %sign3A_165 = arith.constant 0 : i32
      %sign3A_166 = arith.cmpi sgt, %add3A_159, %sign3A_165 : i32
      %sign3A_167 = arith.extui %sign3A_166 : i1 to i32
      %sign3A_168 = arith.constant 0 : i32
      %sign3A_169 = arith.cmpi slt, %add3A_159, %sign3A_168 : i32
      %sign3A_170 = arith.extui %sign3A_169 : i1 to i32
      %sign3A_171 = arith.subi %sign3A_167, %sign3A_170 : i32
      %sign3A_172 = arith.constant 0 : i32
      %sign3A_173 = arith.cmpi sgt, %jit3A_163, %sign3A_172 : i32
      %sign3A_174 = arith.extui %sign3A_173 : i1 to i32
      %sign3A_175 = arith.constant 0 : i32
      %sign3A_176 = arith.cmpi slt, %jit3A_163, %sign3A_175 : i32
      %sign3A_177 = arith.extui %sign3A_176 : i1 to i32
      %sign3A_178 = arith.subi %sign3A_174, %sign3A_177 : i32
      %ne3A_179 = arith.cmpi ne, %sign3A_171, %sign3A_178 : i32
      %rem3A_180 = arith.remsi %add3A_159, %jit3A_163 : i32
      %ne3A_181 = arith.constant 0 : i32
      %ne3A_182 = arith.cmpi ne, %rem3A_180, %ne3A_181 : i32
      %and3A_183 = arith.andi %ne3A_179, %ne3A_182 : i1
      %sub3A_184 = arith.constant 1 : i32
      %sub3A_185 = arith.subi %div3A_164, %sub3A_184 : i32
      %select_n3A_186 = arith.select %and3A_183, %sub3A_185, %div3A_164 : i32
      %get3A_187 = arith.index_cast %select_n3A_186 : i32 to index
      %get3A_188 = arith.constant 0 : index
      %get3A_189 = tpu.vector_load %arg14[%get3A_187, %get3A_188] {strides = array<i32>} : memref<200x32xf32, #tpu.memory_space<vmem>>, vector<1x16xf32>,
      %get3A_190 = vector.shape_cast %get3A_189 : vector<1x16xf32> to vector<16xf32>
      %get3A_191 = arith.index_cast %select_n3A_186 : i32 to index
      %get3A_192 = arith.constant 16 : index
      %get3A_193 = tpu.vector_load %arg14[%get3A_191, %get3A_192] {strides = array<i32>} : memref<200x32xf32, #tpu.memory_space<vmem>>, vector<1x16xf32>,
      %get3A_194 = vector.shape_cast %get3A_193 : vector<1x16xf32> to vector<16xf32>
      %scan3A_195 = arith.constant 0 : i32
      %scan3A_196 = arith.constant 0 : i32
      %scan3A_197 = arith.constant 128 : i32
      %scan3A_198 = arith.addi %scan3A_196, %scan3A_197 : i32
      %scan3A_199 = arith.constant 1 : i32
      scf.for %scan3A_277 = %scan3A_196 to %scan3A_198 step %scan3A_199  : i32 {
        %mul3A_278 = arith.constant 4 : i32
        %mul3A_279 = arith.muli %scan3A_277, %mul3A_278 : i32
        %add3A_280 = arith.constant 0 : i32
        %add3A_281 = arith.addi %mul3A_279, %add3A_280 : i32
        %get3A_282 = arith.index_cast %add3A_281 : i32 to index
        %get3A_283 = arith.constant 0 : index
        %get3A_284 = tpu.vector_load %arg12[%get3A_282, %get3A_283] {strides = array<i32>} : memref<512x32xf32, #tpu.memory_space<vmem>>, vector<1x16xf32>,
        %get3A_285 = vector.shape_cast %get3A_284 : vector<1x16xf32> to vector<16xf32>
        %mul3A_286 = arith.constant 5.65685415 : f32
        %mul3A_287 = vector.broadcast %mul3A_286 : f32 to vector<16xf32>
        %mul3A_288 = arith.mulf %get3A_285, %mul3A_287 : vector<16xf32>
        %add3A_289 = arith.addf %mul3A_288, %get3A_190 : vector<16xf32>
        %swap3A = arith.index_cast %add3A_281 : i32 to index
        %swap3A_290 = arith.constant 0 : index
        %swap3A_291 = tpu.vector_load %arg12[%swap3A, %swap3A_290] {strides = array<i32>} : memref<512x32xf32, #tpu.memory_space<vmem>>, vector<1x16xf32>,
        %swap3A_292 = vector.shape_cast %swap3A_291 : vector<1x16xf32> to vector<16xf32>
        %swap3A_293 = vector.shape_cast %add3A_289 : vector<16xf32> to vector<1x16xf32>
        tpu.vector_store %arg12[%swap3A, %swap3A_290], %swap3A_293 {strides = array<i32>} : memref<512x32xf32, #tpu.memory_space<vmem>>, vector<1x16xf32>,
        %get3A_294 = arith.index_cast %add3A_281 : i32 to index
        %get3A_295 = arith.constant 16 : index
        %get3A_296 = tpu.vector_load %arg12[%get3A_294, %get3A_295] {strides = array<i32>} : memref<512x32xf32, #tpu.memory_space<vmem>>, vector<1x16xf32>,
        %get3A_297 = vector.shape_cast %get3A_296 : vector<1x16xf32> to vector<16xf32>
        %mul3A_298 = arith.constant 5.65685415 : f32
        %mul3A_299 = vector.broadcast %mul3A_298 : f32 to vector<16xf32>
        %mul3A_300 = arith.mulf %get3A_297, %mul3A_299 : vector<16xf32>
        %add3A_301 = arith.addf %mul3A_300, %get3A_194 : vector<16xf32>
        %swap3A_302 = arith.index_cast %add3A_281 : i32 to index
        %swap3A_303 = arith.constant 16 : index
        %swap3A_304 = tpu.vector_load %arg12[%swap3A_302, %swap3A_303] {strides = array<i32>} : memref<512x32xf32, #tpu.memory_space<vmem>>, vector<1x16xf32>,
        %swap3A_305 = vector.shape_cast %swap3A_304 : vector<1x16xf32> to vector<16xf32>
        %swap3A_306 = vector.shape_cast %add3A_301 : vector<16xf32> to vector<1x16xf32>
        tpu.vector_store %arg12[%swap3A_302, %swap3A_303], %swap3A_306 {strides = array<i32>} : memref<512x32xf32, #tpu.memory_space<vmem>>, vector<1x16xf32>,
        %mul3A_307 = arith.constant 4 : i32
        %mul3A_308 = arith.muli %scan3A_277, %mul3A_307 : i32
        %add3A_309 = arith.constant 1 : i32
        %add3A_310 = arith.addi %mul3A_308, %add3A_309 : i32
        %get3A_311 = arith.index_cast %add3A_310 : i32 to index
        %get3A_312 = arith.constant 0 : index
        %get3A_313 = tpu.vector_load %arg12[%get3A_311, %get3A_312] {strides = array<i32>} : memref<512x32xf32, #tpu.memory_space<vmem>>, vector<1x16xf32>,
        %get3A_314 = vector.shape_cast %get3A_313 : vector<1x16xf32> to vector<16xf32>
        %mul3A_315 = arith.constant 5.65685415 : f32
        %mul3A_316 = vector.broadcast %mul3A_315 : f32 to vector<16xf32>
        %mul3A_317 = arith.mulf %get3A_314, %mul3A_316 : vector<16xf32>
        %add3A_318 = arith.addf %mul3A_317, %get3A_190 : vector<16xf32>
        %swap3A_319 = arith.index_cast %add3A_310 : i32 to index
        %swap3A_320 = arith.constant 0 : index
        %swap3A_321 = tpu.vector_load %arg12[%swap3A_319, %swap3A_320] {strides = array<i32>} : memref<512x32xf32, #tpu.memory_space<vmem>>, vector<1x16xf32>,
        %swap3A_322 = vector.shape_cast %swap3A_321 : vector<1x16xf32> to vector<16xf32>
        %swap3A_323 = vector.shape_cast %add3A_318 : vector<16xf32> to vector<1x16xf32>
        tpu.vector_store %arg12[%swap3A_319, %swap3A_320], %swap3A_323 {strides = array<i32>} : memref<512x32xf32, #tpu.memory_space<vmem>>, vector<1x16xf32>,
        %get3A_324 = arith.index_cast %add3A_310 : i32 to index
        %get3A_325 = arith.constant 16 : index
        %get3A_326 = tpu.vector_load %arg12[%get3A_324, %get3A_325] {strides = array<i32>} : memref<512x32xf32, #tpu.memory_space<vmem>>, vector<1x16xf32>,
        %get3A_327 = vector.shape_cast %get3A_326 : vector<1x16xf32> to vector<16xf32>
        %mul3A_328 = arith.constant 5.65685415 : f32
        %mul3A_329 = vector.broadcast %mul3A_328 : f32 to vector<16xf32>
        %mul3A_330 = arith.mulf %get3A_327, %mul3A_329 : vector<16xf32>
        %add3A_331 = arith.addf %mul3A_330, %get3A_194 : vector<16xf32>
        %swap3A_332 = arith.index_cast %add3A_310 : i32 to index
        %swap3A_333 = arith.constant 16 : index
        %swap3A_334 = tpu.vector_load %arg12[%swap3A_332, %swap3A_333] {strides = array<i32>} : memref<512x32xf32, #tpu.memory_space<vmem>>, vector<1x16xf32>,
        %swap3A_335 = vector.shape_cast %swap3A_334 : vector<1x16xf32> to vector<16xf32>
        %swap3A_336 = vector.shape_cast %add3A_331 : vector<16xf32> to vector<1x16xf32>
        tpu.vector_store %arg12[%swap3A_332, %swap3A_333], %swap3A_336 {strides = array<i32>} : memref<512x32xf32, #tpu.memory_space<vmem>>, vector<1x16xf32>,
        %mul3A_337 = arith.constant 4 : i32
        %mul3A_338 = arith.muli %scan3A_277, %mul3A_337 : i32
        %add3A_339 = arith.constant 2 : i32
        %add3A_340 = arith.addi %mul3A_338, %add3A_339 : i32
        %get3A_341 = arith.index_cast %add3A_340 : i32 to index
        %get3A_342 = arith.constant 0 : index
        %get3A_343 = tpu.vector_load %arg12[%get3A_341, %get3A_342] {strides = array<i32>} : memref<512x32xf32, #tpu.memory_space<vmem>>, vector<1x16xf32>,
        %get3A_344 = vector.shape_cast %get3A_343 : vector<1x16xf32> to vector<16xf32>
        %mul3A_345 = arith.constant 5.65685415 : f32
        %mul3A_346 = vector.broadcast %mul3A_345 : f32 to vector<16xf32>
        %mul3A_347 = arith.mulf %get3A_344, %mul3A_346 : vector<16xf32>
        %add3A_348 = arith.addf %mul3A_347, %get3A_190 : vector<16xf32>
        %swap3A_349 = arith.index_cast %add3A_340 : i32 to index
        %swap3A_350 = arith.constant 0 : index
        %swap3A_351 = tpu.vector_load %arg12[%swap3A_349, %swap3A_350] {strides = array<i32>} : memref<512x32xf32, #tpu.memory_space<vmem>>, vector<1x16xf32>,
        %swap3A_352 = vector.shape_cast %swap3A_351 : vector<1x16xf32> to vector<16xf32>
        %swap3A_353 = vector.shape_cast %add3A_348 : vector<16xf32> to vector<1x16xf32>
        tpu.vector_store %arg12[%swap3A_349, %swap3A_350], %swap3A_353 {strides = array<i32>} : memref<512x32xf32, #tpu.memory_space<vmem>>, vector<1x16xf32>,
        %get3A_354 = arith.index_cast %add3A_340 : i32 to index
        %get3A_355 = arith.constant 16 : index
        %get3A_356 = tpu.vector_load %arg12[%get3A_354, %get3A_355] {strides = array<i32>} : memref<512x32xf32, #tpu.memory_space<vmem>>, vector<1x16xf32>,
        %get3A_357 = vector.shape_cast %get3A_356 : vector<1x16xf32> to vector<16xf32>
        %mul3A_358 = arith.constant 5.65685415 : f32
        %mul3A_359 = vector.broadcast %mul3A_358 : f32 to vector<16xf32>
        %mul3A_360 = arith.mulf %get3A_357, %mul3A_359 : vector<16xf32>
        %add3A_361 = arith.addf %mul3A_360, %get3A_194 : vector<16xf32>
        %swap3A_362 = arith.index_cast %add3A_340 : i32 to index
        %swap3A_363 = arith.constant 16 : index
        %swap3A_364 = tpu.vector_load %arg12[%swap3A_362, %swap3A_363] {strides = array<i32>} : memref<512x32xf32, #tpu.memory_space<vmem>>, vector<1x16xf32>,
        %swap3A_365 = vector.shape_cast %swap3A_364 : vector<1x16xf32> to vector<16xf32>
        %swap3A_366 = vector.shape_cast %add3A_361 : vector<16xf32> to vector<1x16xf32>
        tpu.vector_store %arg12[%swap3A_362, %swap3A_363], %swap3A_366 {strides = array<i32>} : memref<512x32xf32, #tpu.memory_space<vmem>>, vector<1x16xf32>,
        %mul3A_367 = arith.constant 4 : i32
        %mul3A_368 = arith.muli %scan3A_277, %mul3A_367 : i32
        %add3A_369 = arith.constant 3 : i32
        %add3A_370 = arith.addi %mul3A_368, %add3A_369 : i32
        %get3A_371 = arith.index_cast %add3A_370 : i32 to index
        %get3A_372 = arith.constant 0 : index
        %get3A_373 = tpu.vector_load %arg12[%get3A_371, %get3A_372] {strides = array<i32>} : memref<512x32xf32, #tpu.memory_space<vmem>>, vector<1x16xf32>,
        %get3A_374 = vector.shape_cast %get3A_373 : vector<1x16xf32> to vector<16xf32>
        %mul3A_375 = arith.constant 5.65685415 : f32
        %mul3A_376 = vector.broadcast %mul3A_375 : f32 to vector<16xf32>
        %mul3A_377 = arith.mulf %get3A_374, %mul3A_376 : vector<16xf32>
        %add3A_378 = arith.addf %mul3A_377, %get3A_190 : vector<16xf32>
        %swap3A_379 = arith.index_cast %add3A_370 : i32 to index
        %swap3A_380 = arith.constant 0 : index
        %swap3A_381 = tpu.vector_load %arg12[%swap3A_379, %swap3A_380] {strides = array<i32>} : memref<512x32xf32, #tpu.memory_space<vmem>>, vector<1x16xf32>,
        %swap3A_382 = vector.shape_cast %swap3A_381 : vector<1x16xf32> to vector<16xf32>
        %swap3A_383 = vector.shape_cast %add3A_378 : vector<16xf32> to vector<1x16xf32>
        tpu.vector_store %arg12[%swap3A_379, %swap3A_380], %swap3A_383 {strides = array<i32>} : memref<512x32xf32, #tpu.memory_space<vmem>>, vector<1x16xf32>,
        %get3A_384 = arith.index_cast %add3A_370 : i32 to index
        %get3A_385 = arith.constant 16 : index
        %get3A_386 = tpu.vector_load %arg12[%get3A_384, %get3A_385] {strides = array<i32>} : memref<512x32xf32, #tpu.memory_space<vmem>>, vector<1x16xf32>,
        %get3A_387 = vector.shape_cast %get3A_386 : vector<1x16xf32> to vector<16xf32>
        %mul3A_388 = arith.constant 5.65685415 : f32
        %mul3A_389 = vector.broadcast %mul3A_388 : f32 to vector<16xf32>
        %mul3A_390 = arith.mulf %get3A_387, %mul3A_389 : vector<16xf32>
        %add3A_391 = arith.addf %mul3A_390, %get3A_194 : vector<16xf32>
        %swap3A_392 = arith.index_cast %add3A_370 : i32 to index
        %swap3A_393 = arith.constant 16 : index
        %swap3A_394 = tpu.vector_load %arg12[%swap3A_392, %swap3A_393] {strides = array<i32>} : memref<512x32xf32, #tpu.memory_space<vmem>>, vector<1x16xf32>,
        %swap3A_395 = vector.shape_cast %swap3A_394 : vector<1x16xf32> to vector<16xf32>
        %swap3A_396 = vector.shape_cast %add3A_391 : vector<16xf32> to vector<1x16xf32>
        tpu.vector_store %arg12[%swap3A_392, %swap3A_393], %swap3A_396 {strides = array<i32>} : memref<512x32xf32, #tpu.memory_space<vmem>>, vector<1x16xf32>,
      }
      %scan3A_200 = arith.constant 128 : i32
      %dma_start3A_201 = arith.constant 0 : i32
      %dma_start3A_202 = tpu.memref_slice %arg5[%add3A_159, %dma_start3A_201] : memref<3276800x32xf32, #tpu.memory_space<hbm>> -> memref<512x32xf32, #tpu.memory_space<hbm>>
      %dma_start3A_203 = arith.constant 0 : i32
      %dma_start3A_204 = tpu.memref_slice %arg5[%add3A_159, %dma_start3A_203] : memref<3276800x32xf32, #tpu.memory_space<hbm>> -> memref<512x32xf32, #tpu.memory_space<hbm>>
      tpu.enqueue_dma source(%arg12 : memref<512x32xf32, #tpu.memory_space<vmem>>) target(%dma_start3A_204 : memref<512x32xf32, #tpu.memory_space<hbm>>) target_semaphore(%arg21 : memref<!tpu.dma_semaphore, #tpu.memory_space<semaphore_mem>>)
      %add3A_205 = arith.constant 2 : i32
      %add3A_206 = arith.addi %add3A_156, %add3A_205 : i32
      %mul3A_207 = arith.constant 512 : i32
      %mul3A_208 = arith.muli %add3A_206, %mul3A_207 : i32
      %add3A_209 = arith.addi %mul3A_2, %mul3A_208 : i32
      %lt3A_210 = arith.constant 200 : i32
      %lt3A_211 = arith.cmpi slt, %add3A_206, %lt3A_210 : i32
      %convert_element_type3A_212 = arith.extui %lt3A_211 : i1 to i32
      %cond3A_213 = arith.constant 0 : i32
      %cond3A_214 = arith.cmpi ne, %convert_element_type3A_212, %cond3A_213 : i32
      scf.if %cond3A_214 {
        %ge3A = arith.constant 4 : i32
        %ge3A_277 = arith.cmpi sge, %add3A_206, %ge3A : i32
        %convert_element_type3A_278 = arith.extui %ge3A_277 : i1 to i32
        %cond3A_279 = arith.constant 0 : i32
        %cond3A_280 = arith.cmpi ne, %convert_element_type3A_278, %cond3A_279 : i32
        scf.if %cond3A_280 {
          %sub3A_284 = arith.constant 2048 : i32
          %sub3A_285 = arith.subi %add3A_209, %sub3A_284 : i32
          %dma_wait3A_286 = arith.constant 0 : i32
          %dma_wait3A_287 = tpu.memref_slice %arg5[%sub3A_285, %dma_wait3A_286] : memref<3276800x32xf32, #tpu.memory_space<hbm>> -> memref<512x32xf32, #tpu.memory_space<hbm>>
          %dma_wait3A_288 = arith.constant 0 : i32
          %dma_wait3A_289 = tpu.memref_slice %arg5[%sub3A_285, %dma_wait3A_288] : memref<3276800x32xf32, #tpu.memory_space<hbm>> -> memref<512x32xf32, #tpu.memory_space<hbm>>
          tpu.wait_dma2 semaphore(%arg19 : memref<!tpu.dma_semaphore, #tpu.memory_space<semaphore_mem>>) src(%arg10 : memref<512x32xf32, #tpu.memory_space<vmem>>) dst(%dma_wait3A_289 : memref<512x32xf32, #tpu.memory_space<hbm>>)
        } else {
        }
        "tpu.region"() ({
          %run_scoped3A = tpu.sem_alloc : memref<!tpu.dma_semaphore, #tpu.memory_space<semaphore_mem>>
          %dma_start3A_284 = tpu.memref_slice %arg2[%add3A_209] : memref<3276800xi32, #tpu.memory_space<hbm>> -> memref<512xi32, #tpu.memory_space<hbm>>
          %dma_start3A_285 = tpu.memref_slice %arg2[%add3A_209] : memref<3276800xi32, #tpu.memory_space<hbm>> -> memref<512xi32, #tpu.memory_space<hbm>>
          tpu.enqueue_dma source(%dma_start3A_285 : memref<512xi32, #tpu.memory_space<hbm>>) target(%arg6 : memref<512xi32, #tpu.memory_space<vmem>>) target_semaphore(%run_scoped3A : memref<!tpu.dma_semaphore, #tpu.memory_space<semaphore_mem>>)
          %dma_wait3A_286 = tpu.memref_slice %arg2[%add3A_209] : memref<3276800xi32, #tpu.memory_space<hbm>> -> memref<512xi32, #tpu.memory_space<hbm>>
          %dma_wait3A_287 = tpu.memref_slice %arg2[%add3A_209] : memref<3276800xi32, #tpu.memory_space<hbm>> -> memref<512xi32, #tpu.memory_space<hbm>>
          tpu.wait_dma2 semaphore(%run_scoped3A : memref<!tpu.dma_semaphore, #tpu.memory_space<semaphore_mem>>) src(%dma_wait3A_287 : memref<512xi32, #tpu.memory_space<hbm>>) dst(%arg6 : memref<512xi32, #tpu.memory_space<vmem>>)
          tpu.yield
        }) : () -> ()
        %dma_start3A_281 = arith.constant 0 : i32
        %dma_start3A_282 = arith.constant 0 : i32
        %dma_start3A_283 = tpu.memref_slice %arg3[%dma_start3A_281, %dma_start3A_282] : memref<1000000x32xf32, #tpu.memory_space<hbm>> -> memref<1000000x32xf32, #tpu.memory_space<hbm>>
        tpu.enqueue_indirect_dma source(%dma_start3A_283 : memref<1000000x32xf32, #tpu.memory_space<hbm>>) target(%arg10 : memref<512x32xf32, #tpu.memory_space<vmem>>) offsets(%arg6 : memref<512xi32, #tpu.memory_space<vmem>>) semaphore(%arg15 : memref<!tpu.dma_semaphore, #tpu.memory_space<semaphore_mem>>)
      } else {
      }
      %mul3A_215 = arith.constant 4 : i32
      %mul3A_216 = arith.muli %scan3A_40, %mul3A_215 : i32
      %add3A_217 = arith.constant 3 : i32
      %add3A_218 = arith.addi %mul3A_216, %add3A_217 : i32
      %mul3A_219 = arith.constant 512 : i32
      %mul3A_220 = arith.muli %add3A_218, %mul3A_219 : i32
      %add3A_221 = arith.addi %mul3A_2, %mul3A_220 : i32
      %dma_wait3A_222 = arith.constant 0 : i32
      %dma_wait3A_223 = arith.constant 0 : i32
      %dma_wait3A_224 = tpu.memref_slice %arg3[%dma_wait3A_222, %dma_wait3A_223] : memref<1000000x32xf32, #tpu.memory_space<hbm>> -> memref<1000000x32xf32, #tpu.memory_space<hbm>>
      tpu.wait_indirect_dma semaphore(%arg18 : memref<!tpu.dma_semaphore, #tpu.memory_space<semaphore_mem>>) src(%dma_wait3A_224 : memref<1000000x32xf32, #tpu.memory_space<hbm>>) dst(%arg13 : memref<512x32xf32, #tpu.memory_space<vmem>>)
      %jit3A_225 = arith.constant 16384 : i32
      %div3A_226 = arith.divsi %add3A_221, %jit3A_225 : i32
      %sign3A_227 = arith.constant 0 : i32
      %sign3A_228 = arith.cmpi sgt, %add3A_221, %sign3A_227 : i32
      %sign3A_229 = arith.extui %sign3A_228 : i1 to i32
      %sign3A_230 = arith.constant 0 : i32
      %sign3A_231 = arith.cmpi slt, %add3A_221, %sign3A_230 : i32
      %sign3A_232 = arith.extui %sign3A_231 : i1 to i32
      %sign3A_233 = arith.subi %sign3A_229, %sign3A_232 : i32
      %sign3A_234 = arith.constant 0 : i32
      %sign3A_235 = arith.cmpi sgt, %jit3A_225, %sign3A_234 : i32
      %sign3A_236 = arith.extui %sign3A_235 : i1 to i32
      %sign3A_237 = arith.constant 0 : i32
      %sign3A_238 = arith.cmpi slt, %jit3A_225, %sign3A_237 : i32
      %sign3A_239 = arith.extui %sign3A_238 : i1 to i32
      %sign3A_240 = arith.subi %sign3A_236, %sign3A_239 : i32
      %ne3A_241 = arith.cmpi ne, %sign3A_233, %sign3A_240 : i32
      %rem3A_242 = arith.remsi %add3A_221, %jit3A_225 : i32
      %ne3A_243 = arith.constant 0 : i32
      %ne3A_244 = arith.cmpi ne, %rem3A_242, %ne3A_243 : i32
      %and3A_245 = arith.andi %ne3A_241, %ne3A_244 : i1
      %sub3A_246 = arith.constant 1 : i32
      %sub3A_247 = arith.subi %div3A_226, %sub3A_246 : i32
      %select_n3A_248 = arith.select %and3A_245, %sub3A_247, %div3A_226 : i32
      %get3A_249 = arith.index_cast %select_n3A_248 : i32 to index
      %get3A_250 = arith.constant 0 : index
      %get3A_251 = tpu.vector_load %arg14[%get3A_249, %get3A_250] {strides = array<i32>} : memref<200x32xf32, #tpu.memory_space<vmem>>, vector<1x16xf32>,
      %get3A_252 = vector.shape_cast %get3A_251 : vector<1x16xf32> to vector<16xf32>
      %get3A_253 = arith.index_cast %select_n3A_248 : i32 to index
      %get3A_254 = arith.constant 16 : index
      %get3A_255 = tpu.vector_load %arg14[%get3A_253, %get3A_254] {strides = array<i32>} : memref<200x32xf32, #tpu.memory_space<vmem>>, vector<1x16xf32>,
      %get3A_256 = vector.shape_cast %get3A_255 : vector<1x16xf32> to vector<16xf32>
      %scan3A_257 = arith.constant 0 : i32
      %scan3A_258 = arith.constant 0 : i32
      %scan3A_259 = arith.constant 128 : i32
      %scan3A_260 = arith.addi %scan3A_258, %scan3A_259 : i32
      %scan3A_261 = arith.constant 1 : i32
      scf.for %scan3A_277 = %scan3A_258 to %scan3A_260 step %scan3A_261  : i32 {
        %mul3A_278 = arith.constant 4 : i32
        %mul3A_279 = arith.muli %scan3A_277, %mul3A_278 : i32
        %add3A_280 = arith.constant 0 : i32
        %add3A_281 = arith.addi %mul3A_279, %add3A_280 : i32
        %get3A_282 = arith.index_cast %add3A_281 : i32 to index
        %get3A_283 = arith.constant 0 : index
        %get3A_284 = tpu.vector_load %arg13[%get3A_282, %get3A_283] {strides = array<i32>} : memref<512x32xf32, #tpu.memory_space<vmem>>, vector<1x16xf32>,
        %get3A_285 = vector.shape_cast %get3A_284 : vector<1x16xf32> to vector<16xf32>
        %mul3A_286 = arith.constant 5.65685415 : f32
        %mul3A_287 = vector.broadcast %mul3A_286 : f32 to vector<16xf32>
        %mul3A_288 = arith.mulf %get3A_285, %mul3A_287 : vector<16xf32>
        %add3A_289 = arith.addf %mul3A_288, %get3A_252 : vector<16xf32>
        %swap3A = arith.index_cast %add3A_281 : i32 to index
        %swap3A_290 = arith.constant 0 : index
        %swap3A_291 = tpu.vector_load %arg13[%swap3A, %swap3A_290] {strides = array<i32>} : memref<512x32xf32, #tpu.memory_space<vmem>>, vector<1x16xf32>,
        %swap3A_292 = vector.shape_cast %swap3A_291 : vector<1x16xf32> to vector<16xf32>
        %swap3A_293 = vector.shape_cast %add3A_289 : vector<16xf32> to vector<1x16xf32>
        tpu.vector_store %arg13[%swap3A, %swap3A_290], %swap3A_293 {strides = array<i32>} : memref<512x32xf32, #tpu.memory_space<vmem>>, vector<1x16xf32>,
        %get3A_294 = arith.index_cast %add3A_281 : i32 to index
        %get3A_295 = arith.constant 16 : index
        %get3A_296 = tpu.vector_load %arg13[%get3A_294, %get3A_295] {strides = array<i32>} : memref<512x32xf32, #tpu.memory_space<vmem>>, vector<1x16xf32>,
        %get3A_297 = vector.shape_cast %get3A_296 : vector<1x16xf32> to vector<16xf32>
        %mul3A_298 = arith.constant 5.65685415 : f32
        %mul3A_299 = vector.broadcast %mul3A_298 : f32 to vector<16xf32>
        %mul3A_300 = arith.mulf %get3A_297, %mul3A_299 : vector<16xf32>
        %add3A_301 = arith.addf %mul3A_300, %get3A_256 : vector<16xf32>
        %swap3A_302 = arith.index_cast %add3A_281 : i32 to index
        %swap3A_303 = arith.constant 16 : index
        %swap3A_304 = tpu.vector_load %arg13[%swap3A_302, %swap3A_303] {strides = array<i32>} : memref<512x32xf32, #tpu.memory_space<vmem>>, vector<1x16xf32>,
        %swap3A_305 = vector.shape_cast %swap3A_304 : vector<1x16xf32> to vector<16xf32>
        %swap3A_306 = vector.shape_cast %add3A_301 : vector<16xf32> to vector<1x16xf32>
        tpu.vector_store %arg13[%swap3A_302, %swap3A_303], %swap3A_306 {strides = array<i32>} : memref<512x32xf32, #tpu.memory_space<vmem>>, vector<1x16xf32>,
        %mul3A_307 = arith.constant 4 : i32
        %mul3A_308 = arith.muli %scan3A_277, %mul3A_307 : i32
        %add3A_309 = arith.constant 1 : i32
        %add3A_310 = arith.addi %mul3A_308, %add3A_309 : i32
        %get3A_311 = arith.index_cast %add3A_310 : i32 to index
        %get3A_312 = arith.constant 0 : index
        %get3A_313 = tpu.vector_load %arg13[%get3A_311, %get3A_312] {strides = array<i32>} : memref<512x32xf32, #tpu.memory_space<vmem>>, vector<1x16xf32>,
        %get3A_314 = vector.shape_cast %get3A_313 : vector<1x16xf32> to vector<16xf32>
        %mul3A_315 = arith.constant 5.65685415 : f32
        %mul3A_316 = vector.broadcast %mul3A_315 : f32 to vector<16xf32>
        %mul3A_317 = arith.mulf %get3A_314, %mul3A_316 : vector<16xf32>
        %add3A_318 = arith.addf %mul3A_317, %get3A_252 : vector<16xf32>
        %swap3A_319 = arith.index_cast %add3A_310 : i32 to index
        %swap3A_320 = arith.constant 0 : index
        %swap3A_321 = tpu.vector_load %arg13[%swap3A_319, %swap3A_320] {strides = array<i32>} : memref<512x32xf32, #tpu.memory_space<vmem>>, vector<1x16xf32>,
        %swap3A_322 = vector.shape_cast %swap3A_321 : vector<1x16xf32> to vector<16xf32>
        %swap3A_323 = vector.shape_cast %add3A_318 : vector<16xf32> to vector<1x16xf32>
        tpu.vector_store %arg13[%swap3A_319, %swap3A_320], %swap3A_323 {strides = array<i32>} : memref<512x32xf32, #tpu.memory_space<vmem>>, vector<1x16xf32>,
        %get3A_324 = arith.index_cast %add3A_310 : i32 to index
        %get3A_325 = arith.constant 16 : index
        %get3A_326 = tpu.vector_load %arg13[%get3A_324, %get3A_325] {strides = array<i32>} : memref<512x32xf32, #tpu.memory_space<vmem>>, vector<1x16xf32>,
        %get3A_327 = vector.shape_cast %get3A_326 : vector<1x16xf32> to vector<16xf32>
        %mul3A_328 = arith.constant 5.65685415 : f32
        %mul3A_329 = vector.broadcast %mul3A_328 : f32 to vector<16xf32>
        %mul3A_330 = arith.mulf %get3A_327, %mul3A_329 : vector<16xf32>
        %add3A_331 = arith.addf %mul3A_330, %get3A_256 : vector<16xf32>
        %swap3A_332 = arith.index_cast %add3A_310 : i32 to index
        %swap3A_333 = arith.constant 16 : index
        %swap3A_334 = tpu.vector_load %arg13[%swap3A_332, %swap3A_333] {strides = array<i32>} : memref<512x32xf32, #tpu.memory_space<vmem>>, vector<1x16xf32>,
        %swap3A_335 = vector.shape_cast %swap3A_334 : vector<1x16xf32> to vector<16xf32>
        %swap3A_336 = vector.shape_cast %add3A_331 : vector<16xf32> to vector<1x16xf32>
        tpu.vector_store %arg13[%swap3A_332, %swap3A_333], %swap3A_336 {strides = array<i32>} : memref<512x32xf32, #tpu.memory_space<vmem>>, vector<1x16xf32>,
        %mul3A_337 = arith.constant 4 : i32
        %mul3A_338 = arith.muli %scan3A_277, %mul3A_337 : i32
        %add3A_339 = arith.constant 2 : i32
        %add3A_340 = arith.addi %mul3A_338, %add3A_339 : i32
        %get3A_341 = arith.index_cast %add3A_340 : i32 to index
        %get3A_342 = arith.constant 0 : index
        %get3A_343 = tpu.vector_load %arg13[%get3A_341, %get3A_342] {strides = array<i32>} : memref<512x32xf32, #tpu.memory_space<vmem>>, vector<1x16xf32>,
        %get3A_344 = vector.shape_cast %get3A_343 : vector<1x16xf32> to vector<16xf32>
        %mul3A_345 = arith.constant 5.65685415 : f32
        %mul3A_346 = vector.broadcast %mul3A_345 : f32 to vector<16xf32>
        %mul3A_347 = arith.mulf %get3A_344, %mul3A_346 : vector<16xf32>
        %add3A_348 = arith.addf %mul3A_347, %get3A_252 : vector<16xf32>
        %swap3A_349 = arith.index_cast %add3A_340 : i32 to index
        %swap3A_350 = arith.constant 0 : index
        %swap3A_351 = tpu.vector_load %arg13[%swap3A_349, %swap3A_350] {strides = array<i32>} : memref<512x32xf32, #tpu.memory_space<vmem>>, vector<1x16xf32>,
        %swap3A_352 = vector.shape_cast %swap3A_351 : vector<1x16xf32> to vector<16xf32>
        %swap3A_353 = vector.shape_cast %add3A_348 : vector<16xf32> to vector<1x16xf32>
        tpu.vector_store %arg13[%swap3A_349, %swap3A_350], %swap3A_353 {strides = array<i32>} : memref<512x32xf32, #tpu.memory_space<vmem>>, vector<1x16xf32>,
        %get3A_354 = arith.index_cast %add3A_340 : i32 to index
        %get3A_355 = arith.constant 16 : index
        %get3A_356 = tpu.vector_load %arg13[%get3A_354, %get3A_355] {strides = array<i32>} : memref<512x32xf32, #tpu.memory_space<vmem>>, vector<1x16xf32>,
        %get3A_357 = vector.shape_cast %get3A_356 : vector<1x16xf32> to vector<16xf32>
        %mul3A_358 = arith.constant 5.65685415 : f32
        %mul3A_359 = vector.broadcast %mul3A_358 : f32 to vector<16xf32>
        %mul3A_360 = arith.mulf %get3A_357, %mul3A_359 : vector<16xf32>
        %add3A_361 = arith.addf %mul3A_360, %get3A_256 : vector<16xf32>
        %swap3A_362 = arith.index_cast %add3A_340 : i32 to index
        %swap3A_363 = arith.constant 16 : index
        %swap3A_364 = tpu.vector_load %arg13[%swap3A_362, %swap3A_363] {strides = array<i32>} : memref<512x32xf32, #tpu.memory_space<vmem>>, vector<1x16xf32>,
        %swap3A_365 = vector.shape_cast %swap3A_364 : vector<1x16xf32> to vector<16xf32>
        %swap3A_366 = vector.shape_cast %add3A_361 : vector<16xf32> to vector<1x16xf32>
        tpu.vector_store %arg13[%swap3A_362, %swap3A_363], %swap3A_366 {strides = array<i32>} : memref<512x32xf32, #tpu.memory_space<vmem>>, vector<1x16xf32>,
        %mul3A_367 = arith.constant 4 : i32
        %mul3A_368 = arith.muli %scan3A_277, %mul3A_367 : i32
        %add3A_369 = arith.constant 3 : i32
        %add3A_370 = arith.addi %mul3A_368, %add3A_369 : i32
        %get3A_371 = arith.index_cast %add3A_370 : i32 to index
        %get3A_372 = arith.constant 0 : index
        %get3A_373 = tpu.vector_load %arg13[%get3A_371, %get3A_372] {strides = array<i32>} : memref<512x32xf32, #tpu.memory_space<vmem>>, vector<1x16xf32>,
        %get3A_374 = vector.shape_cast %get3A_373 : vector<1x16xf32> to vector<16xf32>
        %mul3A_375 = arith.constant 5.65685415 : f32
        %mul3A_376 = vector.broadcast %mul3A_375 : f32 to vector<16xf32>
        %mul3A_377 = arith.mulf %get3A_374, %mul3A_376 : vector<16xf32>
        %add3A_378 = arith.addf %mul3A_377, %get3A_252 : vector<16xf32>
        %swap3A_379 = arith.index_cast %add3A_370 : i32 to index
        %swap3A_380 = arith.constant 0 : index
        %swap3A_381 = tpu.vector_load %arg13[%swap3A_379, %swap3A_380] {strides = array<i32>} : memref<512x32xf32, #tpu.memory_space<vmem>>, vector<1x16xf32>,
        %swap3A_382 = vector.shape_cast %swap3A_381 : vector<1x16xf32> to vector<16xf32>
        %swap3A_383 = vector.shape_cast %add3A_378 : vector<16xf32> to vector<1x16xf32>
        tpu.vector_store %arg13[%swap3A_379, %swap3A_380], %swap3A_383 {strides = array<i32>} : memref<512x32xf32, #tpu.memory_space<vmem>>, vector<1x16xf32>,
        %get3A_384 = arith.index_cast %add3A_370 : i32 to index
        %get3A_385 = arith.constant 16 : index
        %get3A_386 = tpu.vector_load %arg13[%get3A_384, %get3A_385] {strides = array<i32>} : memref<512x32xf32, #tpu.memory_space<vmem>>, vector<1x16xf32>,
        %get3A_387 = vector.shape_cast %get3A_386 : vector<1x16xf32> to vector<16xf32>
        %mul3A_388 = arith.constant 5.65685415 : f32
        %mul3A_389 = vector.broadcast %mul3A_388 : f32 to vector<16xf32>
        %mul3A_390 = arith.mulf %get3A_387, %mul3A_389 : vector<16xf32>
        %add3A_391 = arith.addf %mul3A_390, %get3A_256 : vector<16xf32>
        %swap3A_392 = arith.index_cast %add3A_370 : i32 to index
        %swap3A_393 = arith.constant 16 : index
        %swap3A_394 = tpu.vector_load %arg13[%swap3A_392, %swap3A_393] {strides = array<i32>} : memref<512x32xf32, #tpu.memory_space<vmem>>, vector<1x16xf32>,
        %swap3A_395 = vector.shape_cast %swap3A_394 : vector<1x16xf32> to vector<16xf32>
        %swap3A_396 = vector.shape_cast %add3A_391 : vector<16xf32> to vector<1x16xf32>
        tpu.vector_store %arg13[%swap3A_392, %swap3A_393], %swap3A_396 {strides = array<i32>} : memref<512x32xf32, #tpu.memory_space<vmem>>, vector<1x16xf32>,
      }
      %scan3A_262 = arith.constant 128 : i32
      %dma_start3A_263 = arith.constant 0 : i32
      %dma_start3A_264 = tpu.memref_slice %arg5[%add3A_221, %dma_start3A_263] : memref<3276800x32xf32, #tpu.memory_space<hbm>> -> memref<512x32xf32, #tpu.memory_space<hbm>>
      %dma_start3A_265 = arith.constant 0 : i32
      %dma_start3A_266 = tpu.memref_slice %arg5[%add3A_221, %dma_start3A_265] : memref<3276800x32xf32, #tpu.memory_space<hbm>> -> memref<512x32xf32, #tpu.memory_space<hbm>>
      tpu.enqueue_dma source(%arg13 : memref<512x32xf32, #tpu.memory_space<vmem>>) target(%dma_start3A_266 : memref<512x32xf32, #tpu.memory_space<hbm>>) target_semaphore(%arg22 : memref<!tpu.dma_semaphore, #tpu.memory_space<semaphore_mem>>)
      %add3A_267 = arith.constant 2 : i32
      %add3A_268 = arith.addi %add3A_218, %add3A_267 : i32
      %mul3A_269 = arith.constant 512 : i32
      %mul3A_270 = arith.muli %add3A_268, %mul3A_269 : i32
      %add3A_271 = arith.addi %mul3A_2, %mul3A_270 : i32
      %lt3A_272 = arith.constant 200 : i32
      %lt3A_273 = arith.cmpi slt, %add3A_268, %lt3A_272 : i32
      %convert_element_type3A_274 = arith.extui %lt3A_273 : i1 to i32
      %cond3A_275 = arith.constant 0 : i32
      %cond3A_276 = arith.cmpi ne, %convert_element_type3A_274, %cond3A_275 : i32
      scf.if %cond3A_276 {
        %ge3A = arith.constant 4 : i32
        %ge3A_277 = arith.cmpi sge, %add3A_268, %ge3A : i32
        %convert_element_type3A_278 = arith.extui %ge3A_277 : i1 to i32
        %cond3A_279 = arith.constant 0 : i32
        %cond3A_280 = arith.cmpi ne, %convert_element_type3A_278, %cond3A_279 : i32
        scf.if %cond3A_280 {
          %sub3A_284 = arith.constant 2048 : i32
          %sub3A_285 = arith.subi %add3A_271, %sub3A_284 : i32
          %dma_wait3A_286 = arith.constant 0 : i32
          %dma_wait3A_287 = tpu.memref_slice %arg5[%sub3A_285, %dma_wait3A_286] : memref<3276800x32xf32, #tpu.memory_space<hbm>> -> memref<512x32xf32, #tpu.memory_space<hbm>>
          %dma_wait3A_288 = arith.constant 0 : i32
          %dma_wait3A_289 = tpu.memref_slice %arg5[%sub3A_285, %dma_wait3A_288] : memref<3276800x32xf32, #tpu.memory_space<hbm>> -> memref<512x32xf32, #tpu.memory_space<hbm>>
          tpu.wait_dma2 semaphore(%arg20 : memref<!tpu.dma_semaphore, #tpu.memory_space<semaphore_mem>>) src(%arg11 : memref<512x32xf32, #tpu.memory_space<vmem>>) dst(%dma_wait3A_289 : memref<512x32xf32, #tpu.memory_space<hbm>>)
        } else {
        }
        "tpu.region"() ({
          %run_scoped3A = tpu.sem_alloc : memref<!tpu.dma_semaphore, #tpu.memory_space<semaphore_mem>>
          %dma_start3A_284 = tpu.memref_slice %arg2[%add3A_271] : memref<3276800xi32, #tpu.memory_space<hbm>> -> memref<512xi32, #tpu.memory_space<hbm>>
          %dma_start3A_285 = tpu.memref_slice %arg2[%add3A_271] : memref<3276800xi32, #tpu.memory_space<hbm>> -> memref<512xi32, #tpu.memory_space<hbm>>
          tpu.enqueue_dma source(%dma_start3A_285 : memref<512xi32, #tpu.memory_space<hbm>>) target(%arg7 : memref<512xi32, #tpu.memory_space<vmem>>) target_semaphore(%run_scoped3A : memref<!tpu.dma_semaphore, #tpu.memory_space<semaphore_mem>>)
          %dma_wait3A_286 = tpu.memref_slice %arg2[%add3A_271] : memref<3276800xi32, #tpu.memory_space<hbm>> -> memref<512xi32, #tpu.memory_space<hbm>>
          %dma_wait3A_287 = tpu.memref_slice %arg2[%add3A_271] : memref<3276800xi32, #tpu.memory_space<hbm>> -> memref<512xi32, #tpu.memory_space<hbm>>
          tpu.wait_dma2 semaphore(%run_scoped3A : memref<!tpu.dma_semaphore, #tpu.memory_space<semaphore_mem>>) src(%dma_wait3A_287 : memref<512xi32, #tpu.memory_space<hbm>>) dst(%arg7 : memref<512xi32, #tpu.memory_space<vmem>>)
          tpu.yield
        }) : () -> ()
        %dma_start3A_281 = arith.constant 0 : i32
        %dma_start3A_282 = arith.constant 0 : i32
        %dma_start3A_283 = tpu.memref_slice %arg3[%dma_start3A_281, %dma_start3A_282] : memref<1000000x32xf32, #tpu.memory_space<hbm>> -> memref<1000000x32xf32, #tpu.memory_space<hbm>>
        tpu.enqueue_indirect_dma source(%dma_start3A_283 : memref<1000000x32xf32, #tpu.memory_space<hbm>>) target(%arg11 : memref<512x32xf32, #tpu.memory_space<vmem>>) offsets(%arg7 : memref<512xi32, #tpu.memory_space<vmem>>) semaphore(%arg16 : memref<!tpu.dma_semaphore, #tpu.memory_space<semaphore_mem>>)
      } else {
      }
    }
    %scan3A_16 = arith.constant 50 : i32
    %add3A_17 = arith.constant 100352 : i32
    %add3A_18 = arith.addi %mul3A_2, %add3A_17 : i32
    %dma_wait3A = arith.constant 0 : i32
    %dma_wait3A_19 = tpu.memref_slice %arg5[%add3A_18, %dma_wait3A] : memref<3276800x32xf32, #tpu.memory_space<hbm>> -> memref<512x32xf32, #tpu.memory_space<hbm>>
    %dma_wait3A_20 = arith.constant 0 : i32
    %dma_wait3A_21 = tpu.memref_slice %arg5[%add3A_18, %dma_wait3A_20] : memref<3276800x32xf32, #tpu.memory_space<hbm>> -> memref<512x32xf32, #tpu.memory_space<hbm>>
    tpu.wait_dma2 semaphore(%arg19 : memref<!tpu.dma_semaphore, #tpu.memory_space<semaphore_mem>>) src(%arg10 : memref<512x32xf32, #tpu.memory_space<vmem>>) dst(%dma_wait3A_21 : memref<512x32xf32, #tpu.memory_space<hbm>>)
    %add3A_22 = arith.constant 100864 : i32
    %add3A_23 = arith.addi %mul3A_2, %add3A_22 : i32
    %dma_wait3A_24 = arith.constant 0 : i32
    %dma_wait3A_25 = tpu.memref_slice %arg5[%add3A_23, %dma_wait3A_24] : memref<3276800x32xf32, #tpu.memory_space<hbm>> -> memref<512x32xf32, #tpu.memory_space<hbm>>
    %dma_wait3A_26 = arith.constant 0 : i32
    %dma_wait3A_27 = tpu.memref_slice %arg5[%add3A_23, %dma_wait3A_26] : memref<3276800x32xf32, #tpu.memory_space<hbm>> -> memref<512x32xf32, #tpu.memory_space<hbm>>
    tpu.wait_dma2 semaphore(%arg20 : memref<!tpu.dma_semaphore, #tpu.memory_space<semaphore_mem>>) src(%arg11 : memref<512x32xf32, #tpu.memory_space<vmem>>) dst(%dma_wait3A_27 : memref<512x32xf32, #tpu.memory_space<hbm>>)
    %add3A_28 = arith.constant 101376 : i32
    %add3A_29 = arith.addi %mul3A_2, %add3A_28 : i32
    %dma_wait3A_30 = arith.constant 0 : i32
    %dma_wait3A_31 = tpu.memref_slice %arg5[%add3A_29, %dma_wait3A_30] : memref<3276800x32xf32, #tpu.memory_space<hbm>> -> memref<512x32xf32, #tpu.memory_space<hbm>>
    %dma_wait3A_32 = arith.constant 0 : i32
    %dma_wait3A_33 = tpu.memref_slice %arg5[%add3A_29, %dma_wait3A_32] : memref<3276800x32xf32, #tpu.memory_space<hbm>> -> memref<512x32xf32, #tpu.memory_space<hbm>>
    tpu.wait_dma2 semaphore(%arg21 : memref<!tpu.dma_semaphore, #tpu.memory_space<semaphore_mem>>) src(%arg12 : memref<512x32xf32, #tpu.memory_space<vmem>>) dst(%dma_wait3A_33 : memref<512x32xf32, #tpu.memory_space<hbm>>)
    %add3A_34 = arith.constant 101888 : i32
    %add3A_35 = arith.addi %mul3A_2, %add3A_34 : i32
    %dma_wait3A_36 = arith.constant 0 : i32
    %dma_wait3A_37 = tpu.memref_slice %arg5[%add3A_35, %dma_wait3A_36] : memref<3276800x32xf32, #tpu.memory_space<hbm>> -> memref<512x32xf32, #tpu.memory_space<hbm>>
    %dma_wait3A_38 = arith.constant 0 : i32
    %dma_wait3A_39 = tpu.memref_slice %arg5[%add3A_35, %dma_wait3A_38] : memref<3276800x32xf32, #tpu.memory_space<hbm>> -> memref<512x32xf32, #tpu.memory_space<hbm>>
    tpu.wait_dma2 semaphore(%arg22 : memref<!tpu.dma_semaphore, #tpu.memory_space<semaphore_mem>>) src(%arg13 : memref<512x32xf32, #tpu.memory_space<vmem>>) dst(%dma_wait3A_39 : memref<512x32xf32, #tpu.memory_space<hbm>>)
    return
  }
}

</mosaic_0001>

<sc_bundles>
// kernel: kernel.3.cloned.1.call-start
scs
__scs_entry_jumppad:
0x0: {  	(pc) =	sbr.rel $0x88, $3  }
0x1: {  	(tag) =	ssettag $0x0;
	lr =	simm.s32 $0x1  }
0x2: {  	[smem:$0x3F9E] =	sst lr;
	_ =	strace $0xD0000000  }
0x3: {  	_ = 	snop  }
0x4: {  	_ = 	snop  }
0x5: {  	_ = 	snop  }
0x6: {  	_ = 	snop  }
0x7: {  	_ = 	snop  }
__scs_overlays_trampoline_lowered:
0x8: {  	[smem:$0x3FAD] =	sst s0  }
0x9: {  	[smem:$0x3FAE] =	sst s1  }
0xa: {  	[smem:$0x3FAF] =	sst s2  }
0xb: {  	[smem:$0x3FB0] =	sst s3  }
0xc: {  	[smem:$0x3FB1] =	sst s4  }
0xd: {  	[smem:$0x3FB2] =	sst s5  }
0xe: {  	[smem:$0x3FB3] =	sst s6  }
0xf: {  	[smem:$0x3FB4] =	sst s7  }
0x10: {  	[smem:$0x3FB5] =	sst s8  }
0x11: {  	[smem:$0x3FB6] =	sst s9;
	s0 =	simm.s32 @!p0 $0x0  }
0x12: {  	s1 =	sld [smem:$0x3F9C];
	s0 =	simm.s32 @p0 $0x1  }
0x13: {  	[smem:$0x3FB7] =	sst s0;
	s0 =	simm.s32 @!p1 $0x0  }
0x14: {  	s2 =	sld [smem:$0x3F9B];
	s0 =	simm.s32 @p1 $0x1  }
0x15: {  	[smem:$0x3FB8] =	sst s0;
	s0 =	simm.s32 @!p2 $0x0  }
0x16: {  	s3 =	sld [smem:$0x3FDB];
	s0 =	simm.s32 @p2 $0x1  }
0x17: {  	s4 =	simm.s32 $0x1BF5;
	[smem:$0x3FBA] =	sst s0  }
0x18: {  	s0 =	sld [smem:$0x3F9D];
	_ =	swait.ge [sflag:s4], $0x0  }
0x19: {  	s7 =	sld [smem:$0x3F9E]  }
0x1a: {  	s8 =	sadd.s32 $0xFFFFE003, lr  }
0x1b: {  	s9 =	sadd.s32 $0xFFFFFEF7, lr;
	s5 =	simm.s32 $0xFFFFFFFF;
	p2 =	slt.u32 s8, $0xFFFFF086  }
0x1c: {  	p1 =	slt.u32 s9, $0xF7A;
	s5 =	simm.s32 @!p2 $0x0  }
0x1d: {  	s5 =	simm.s32 @p1 $0x1;
	p0 =	seq.s32 s7, s2  }
0x1e: {  	s7 =	smul.u32 @!p0 $0xF7A, s2;
	p2 =	seq.s32 @!p0 s5, $0x0  }
0x1f: {  	s9 =	smul.u32 $0xF7A, s1;
	s8 =	simm.s32 @!p0 $0x1BF5;
	p2 =	por !p2, p0  }
0x20: {  	[sflag:s8] =	ssyncset.s32 @!p0 $0xFFFFF086;
	s6 =	sadd.s32 @!p0 s3, s7;
	s7 =	simm.s32 @!p0 $0x108  }
0x21: {  	s3 =	sadd.s32 s3, s9;
	s6 =	sadd.s32 @!p0 $0x88, s6;
	s7 =	simm.s32 @p2 $0x1082  }
0x22: {  	[simem:s7], [sflag:s8] =	dma.local @!p0 [hbm:s6], $0xF7A  }
0x23: {  	s9 =	sor.u32 $0xD0000000, s2;
	s6 =	simm.s32 $0x108;
	_ =	swait.ge @!p0 [sflag:s8], $0x0  }
0x24: {  	s3 =	sadd.s32 $0x88, s3;
	s6 =	simm.s32 @!p1 $0x1082;
	[sflag:s4] =	ssyncset.s32 $0xFFFFF086  }
0x25: {  	[simem:s6], [sflag:s4] =	dma.local [hbm:s3], $0xF7A  }
0x26: {  	[smem:$0x3F9E] =	sst s1;
	(tag) =	ssettag s2;
	_ =	strace s9  }
0x27: {  	s1 =	sld [smem:$0x3FAE]  }
0x28: {  	s2 =	sld [smem:$0x3FAF]  }
0x29: {  	s4 =	sld [smem:$0x3FB1]  }
0x2a: {  	p0 =	seq.s32 s5, $0x0;
	s5 =	sld [smem:$0x3FB2]  }
0x2b: {  	s6 =	sld [smem:$0x3FB3]  }
0x2c: {  	s7 =	sld [smem:$0x3FB4]  }
0x2d: {  	s3 =	simm.s32 $0x108;
	s8 =	sld [smem:$0x3FB5]  }
0x2e: {  	s3 =	simm.s32 @!p0 $0x1082;
	s9 =	sld [smem:$0x3FB6]  }
0x2f: {  	lr =	sadd.s32 s0, s3;
	s0 =	sld [smem:$0x3FAD]  }
0x30: {  	s3 =	sld [smem:$0x3FB0]  }
0x31: {  	[smem:$0x3FB9] =	sst s10  }
0x32: {  	s10 =	sld [smem:$0x3FB7];
	_ =	sdelay $0x3  }
0x33: {  	p0 =	seq.s32 s10, $0x1;
	s10 =	sld [smem:$0x3FB9];
	_ =	sdelay $0x3  }
0x34: {  	[smem:$0x3FB9] =	sst s10  }
0x35: {  	s10 =	sld [smem:$0x3FB8];
	_ =	sdelay $0x3  }
0x36: {  	p1 =	seq.s32 s10, $0x1;
	s10 =	sld [smem:$0x3FB9];
	_ =	sdelay $0x3  }
0x37: {  	[smem:$0x3FB9] =	sst s10  }
0x38: {  	s10 =	sld [smem:$0x3FBA]  }
0x39: {  	_ = 	snop;
	(pc) =	sbr.ind lr, $3  }
0x3a: {  	_ = 	snop  }
0x3b: {  	_ = 	snop  }
0x3c: {  	p2 =	seq.s32 s10, $0x1;
	s10 =	sld [smem:$0x3FB9]  }
0x3d: {  	_ =	shalt  }
0x3e: {  	_ =	shalt  }
0x3f: {  	_ =	shalt  }
0x40: {  	_ =	shalt  }
0x41: {  	_ =	shalt  }
0x42: {  	_ =	shalt  }
0x43: {  	_ =	shalt  }
0x44: {  	_ =	shalt  }
0x45: {  	_ =	shalt  }
0x46: {  	_ =	shalt  }
0x47: {  	_ =	shalt  }
0x48: {  	_ =	shalt  }
0x49: {  	_ =	shalt  }
0x4a: {  	_ =	shalt  }
0x4b: {  	_ =	shalt  }
0x4c: {  	_ =	shalt  }
0x4d: {  	_ =	shalt  }
0x4e: {  	_ =	shalt  }
0x4f: {  	_ =	shalt  }
0x50: {  	_ =	shalt  }
0x51: {  	_ =	shalt  }
0x52: {  	_ =	shalt  }
0x53: {  	_ =	shalt  }
0x54: {  	_ =	shalt  }
0x55: {  	_ =	shalt  }
0x56: {  	_ =	shalt  }
0x57: {  	_ =	shalt  }
0x58: {  	_ =	shalt  }
0x59: {  	_ =	shalt  }
0x5a: {  	_ =	shalt  }
0x5b: {  	_ =	shalt  }
0x5c: {  	_ =	shalt  }
0x5d: {  	_ =	shalt  }
0x5e: {  	_ =	shalt  }
0x5f: {  	_ =	shalt  }
0x60: {  	_ =	shalt  }
0x61: {  	_ =	shalt  }
0x62: {  	_ =	shalt  }
0x63: {  	_ =	shalt  }
0x64: {  	_ =	shalt  }
0x65: {  	_ =	shalt  }
0x66: {  	_ =	shalt  }
0x67: {  	_ =	shalt  }
0x68: {  	_ =	shalt  }
0x69: {  	_ =	shalt  }
0x6a: {  	_ =	shalt  }
0x6b: {  	_ =	shalt  }
0x6c: {  	_ =	shalt  }
0x6d: {  	_ =	shalt  }
0x6e: {  	_ =	shalt  }
0x6f: {  	_ =	shalt  }
0x70: {  	_ =	shalt  }
0x71: {  	_ =	shalt  }
0x72: {  	_ =	shalt  }
0x73: {  	_ =	shalt  }
0x74: {  	_ =	shalt  }
0x75: {  	_ =	shalt  }
0x76: {  	_ =	shalt  }
0x77: {  	_ =	shalt  }
0x78: {  	_ =	shalt  }
0x79: {  	_ =	shalt  }
0x7a: {  	_ =	shalt  }
0x7b: {  	_ =	shalt  }
0x7c: {  	_ =	shalt  }
0x7d: {  	_ =	shalt  }
0x7e: {  	_ =	shalt  }
0x7f: {  	_ =	shalt  }
0x80: {  	_ =	shalt  }
0x81: {  	_ =	shalt  }
0x82: {  	_ =	shalt  }
0x83: {  	_ =	shalt  }
0x84: {  	_ =	shalt  }
0x85: {  	_ =	shalt  }
0x86: {  	_ =	shalt  }
0x87: {  	_ =	shalt  }
.Lfunc_end0:
.L_simem_size_0:
called_computation.1_lowered:
.L_overlay_start_0:
0x88: {  	s2 =	sld [smem:$0x3FD9]  }
0x89: {  	s3 =	sld [smem:$0x3FFE];
	_ =	sdelay $0x1  }
0x8a: {  	s1 =	srdreg.scid  }
0x8b: {  	s0 =	sand.u32 $0x1, s1  }
0x8c: {  	s17 =	sshll.u32 s0, $0xA;
	s2 =	sadd.s32 s3, s2  }
0x8d: {  	s2 =	sadd.s32 s2, s17  }
0x8e: {  	[smem:$0x3FC5] =	sst s2  }
0x8f: {  	_ = 	snop  }
0x90: {  	s2 =	sld [smem:$0x3FD0];
	(tm) =	ssettm $0x1  }
0x91: {  	s18 =	sld [smem:$0x3FFB];
	_ =	sdelay $0x3  }
0x92: {  	_ =	strace s18  }
0x93: {  	s3 =	sld [smem:$0x3FFC];
	_ =	sdelay $0x3  }
0x94: {  	_ =	strace s3  }
0x95: {  	s3 =	sld [smem:$0x3FFD];
	_ =	sdelay $0x3  }
0x96: {  	_ =	strace s3  }
0x97: {  	_ =	strace $0x8FFFFFFF  }
0x98: {  	s19 =	sld [smem:$0x3FDB];
	_ =	sdelay $0x1  }
0x99: {  	s4 =	simm.s32 $_scs_section_size  }
0x9a: {  	s5 =	simm.s32 $_size__tile_overlayer_lowered;
	s6 =	simm.s32 $_tile_overlayer_lowered  }
0x9b: {  	s22 =	simm.s32 $0x1BFF;
	s21 =	sshll.u32 s6, $0x1;
	s3 =	sadd.s32 s4, s19  }
0x9c: {  	s7 =	simm.s32 $0x0;
	s20 =	sshll.u32 s5, $0x1;
	s5 =	sadd.s32 s21, s3  }
0x9d: {  	[timem:s7], [sflag:s22] =	dma.local [hbm:s5], s20  }
0x9e: {  	_ =	swait.ge [sflag:s22], s20  }
0x9f: {  	s4 =	ssub.s32 $0x0, s20;
	[sflag:s22] =	ssyncset.done $0x0  }
0xa0: {  	[sflag:s22] =	ssyncadd.s32 s4;
	_ =	sdelay $0x1  }
0xa1: {  	s23 =	simm.s32 $0x1B8B  }
0xa2: {  	_ =	swait.ge [sflag:s23], $0x1  }
0xa3: {  	[sflag:s23] =	ssyncset.done $0x0  }
0xa4: {  	s25 =	simm.s32 $0x1B8E;
	s24 =	sld [smem:$0x3FFE];
	[sflag:s23] =	ssyncadd.s32 $0xFFFFFFFF  }
0xa5: {  	s26 =	simm.s32 $execute0_lowered;
	[smem:$0x3FD2] =	sst s25  }
0xa6: {  	s5 =	sshll.u32 s26, $0x1;
	_ =	strace $0x80000046;
	[dreg:$0x1] =	wrdreg $0xFFFFFFFF  }
0xa7: {  	s28 =	simm.s32 $_size_execute0_lowered;
	s3 =	sadd.s32 s3, s5;
	[dreg:$0x0] =	wrdreg $0x0  }
0xa8: {  	s5 =	sshll.u32 s28, $0x1;
	[dreg:$0x2] =	wrdreg s3  }
0xa9: {  	[dreg:$0x3] =	wrdreg s5  }
0xaa: {  	[dreg:$0x4] =	wrdreg $0xC0  }
0xab: {  	_ =	task [dreg:s7], $0x5FFFF  }
0xac: {  	[dreg:$0x1] =	wrdreg $0xFFFFFFFF  }
0xad: {  	[dreg:$0x0] =	wrdreg $0x60  }
0xae: {  	[dreg:$0x2] =	wrdreg s24  }
0xaf: {  	[dreg:$0x3] =	wrdreg s2  }
0xb0: {  	[dreg:$0x4] =	wrdreg $0x9  }
0xb1: {  	_ =	task.clear_ibuf [dreg:s7], $0x5FFFF;
	_ =	strace $0x90000046  }
0xb2: {  	s29 =	simm.s32 $0x9;
	_ =	strace $0x80000048  }
0xb3: {  	_ =	swait.ge [sflag:s29], $0x1  }
0xb4: {  	[sflag:s29] =	ssyncadd.s32 $0xFFFFFFFF  }
0xb5: {  	_ =	strace $0x90000048  }
0xb6: {  	_ =	sfence  }
0xb7: {  	s30 =	sld [smem:$0x0];
	_ =	sdelay $0x2  }
0xb8: {  	s31 =	sshll.u32 s1, $0xD;
	s1 =	sshrl.u32 s1, $0x2  }
0xb9: {  	s3 =	sand.u32 $0x4000, s31;
	s1 =	sadd.s32 s1, s30  }
0xba: {  	s0 =	sor.u32 s3, s0;
	s1 =	sshll.u32 s1, $0x11  }
0xbb: {  	s0 =	sor.u32 s1, s0  }
0xbc: {  	s0 =	sadd.s32 $0x8F2B, s0  }
0xbd: {  	[sflag:s0] =	ssyncadd.remote.s32 $0x1  }
0xbe: {  	_ =	sfence.sel $0xFFFF  }
0xbf: {  	[dreg:$0x0] =	wrdreg $0xFFFFFFFF;
	(pc) =	sbr.abs _section_cstart, $3  }
0xc0: {  	[dreg:$0x1] =	wrdreg $0xFFFFFFFF  }
0xc1: {  	_ =	task.clear_ibuf [dreg:s7], $0x2FFFF;
	_ =	strace $0x9FFFFFFF  }
0xc2: {  	(tm) =	ssettm $0x7FFFFFFF  }
0xc3: {  	_ =	shalt  }
tec
execute0_lowered:
.L_overlay_start_1:
0x0: {  	(tag) =	ssettag $0x1  }
0x1: {  	s0 =	rddreg [dreg:$0x0];
	s1 =	srdreg.scid  }
0x2: {  	s3 =	stileid.u32;
	s2 =	rddreg [dreg:$0x1];
	s14 =	simm.s32 $0x9  }
0x3: {  	s15 =	simm.s32 $0x200;
	s16 =	simm.s32 $0x800;
	s17 =	simm.s32 $0x4800  }
0x4: {  	s18 =	simm.s32 $0x1;
	s19 =	simm.s32 $0x400;
	s20 =	simm.s32 $0x8800  }
0x5: {  	s21 =	simm.s32 $0x2;
	s22 =	simm.s32 $0x600;
	s23 =	simm.s32 $0xC800  }
0x6: {  	s24 =	simm.s32 $0x3;
	s28 =	simm.s32 $0x6;
	s29 =	simm.s32 $0x7  }
0x7: {  	s30 =	simm.s32 $0x8;
	s1 =	sand.u32 $0x1, s1;
	s4 =	sshll.u32 s3, $0x1  }
0x8: {  	s3 =	simm.s32 $0x0;
	s5 =	sadd.s32 $0xC00, s0;
	s6 =	sadd.s32 $0xFA7000, s0  }
0x9: {  	s0 =	sadd.s32 $0x800, s0;
	s4 =	sor.u32 s1, s4;
	s1 =	ssub.s32 $0x2, s1  }
0xa: {  	[smem:$0x7FF] =	sst s3;
	s4 =	smul.u32 $0x19000, s4;
	s8 =	sshrl.u32 s1, $0x1  }
.Ltmp0:
0xb: {  	_ =	strace $0x80000047;
	s25 =	ssub.s32 s1, s8;
	(pc) =	sbr.rel .LBB2_1-.Ltmp0, $4  }
0xc: {  	[dreg:$0x4] =	wrdreg s0;
	s7 =	sshrl.u32 s4, $0x3;
	s0 =	smax.u32 s25, $0x1  }
0xd: {  	s31 =	simm.s32 $0x0;
	s7 =	sadd.s32 s5, s7;
	[dreg:$0x6] =	wrdreg s0  }
0xe: {  	s10 =	sor.u32 $0x800, s4;
	[dreg:$0x3] =	wrdreg s7;
	s26 =	sadd.s32 $0x40, s7  }
0xf: {  	s11 =	sor.u32 $0xA00, s4;
	s25 =	simm.s32 $0x4;
	[dreg:$0x5] =	wrdreg s26  }
.LBB2_12:
0x10: {  	s0 =	simm.s32 $0x5  }
0x11: {  	_ =	swait.ge [sflag:s0], $0x4000  }
0x12: {  	[sflag:s0] =	ssyncset.done $0x0  }
0x13: {  	[sflag:s0] =	ssyncadd.s32 $0xFFFFC000  }
0x14: {  	_ =	swait.ge [sflag:s28], $0x4000  }
0x15: {  	[sflag:s28] =	ssyncset.done $0x0  }
0x16: {  	[sflag:s28] =	ssyncadd.s32 $0xFFFFC000  }
0x17: {  	_ =	swait.ge [sflag:s29], $0x4000  }
0x18: {  	[sflag:s29] =	ssyncset.done $0x0  }
0x19: {  	[sflag:s29] =	ssyncadd.s32 $0xFFFFC000  }
0x1a: {  	_ =	swait.ge [sflag:s30], $0x4000  }
0x1b: {  	s31 =	sadd.s32 $0x1, s31;
	s26 =	rddreg [dreg:$0x6]  }
0x1c: {  	p0 =	sne.s32 s31, s26  }
.Ltmp1:
0x1d: {  	_ = 	snop;
	(pc) =	sbr.rel @!p0 .LBB2_13-.Ltmp1, $3  }
0x1e: {  	_ =	sdelay $0x1  }
0x1f: {  	[sflag:s30] =	ssyncset.done $0x0  }
0x20: {  	[sflag:s30] =	ssyncadd.s32 $0xFFFFC000  }
.LBB2_1:
0x21: {  	s0 =	rddreg [dreg:$0x4];
	s1 =	simm.s32 $0x10800  }
0x22: {  	[tilespmem:s1], [sflag:$0x9] =	stream.linear.gather [hbm4b:s0+s3], $0x1900, $0x38;
	[tilespmem:$0x12100] =	vst v63  }
0x23: {  	_ =	swait.ge [sflag:s14], $0x1900  }
0x24: {  	[sflag:s14] =	ssyncset.done $0x0  }
0x25: {  	s13 =	rddreg [dreg:$0x3];
	[sflag:s14] =	ssyncadd.s32 $0xFFFFE700  }
0x26: {  	[tilespmem:s3], [sflag:$0x9] =	stream.linear.gather [hbm4b:s13+s3], $0x200, $0x38;
	[tilespmem:$0x12100] =	vst v63  }
0x27: {  	_ =	swait.ge [sflag:s14], $0x200  }
0x28: {  	[sflag:s14] =	ssyncset.done $0x0  }
0x29: {  	[sflag:s14] =	ssyncadd.s32 $0xFFFFFE00  }
0x2a: {  	[tilespmem:s16], [sflag:$0x1] =	stream.indirect.gather [hbm4b:s6+s15], $0x20, s3, s15, $0xb8;
	[tilespmem:$0x12100] =	vst v63  }
0x2b: {  	s26 =	rddreg [dreg:$0x5]  }
0x2c: {  	[tilespmem:s15], [sflag:$0x9] =	stream.linear.gather [hbm4b:s26+s3], $0x200, $0x38;
	[tilespmem:$0x12100] =	vst v63  }
0x2d: {  	_ =	swait.ge [sflag:s14], $0x200  }
0x2e: {  	[sflag:s14] =	ssyncset.done $0x0  }
0x2f: {  	s1 =	simm.s32 $0x0;
	[sflag:s14] =	ssyncadd.s32 $0xFFFFFE00  }
0x30: {  	[tilespmem:s17], [sflag:$0x2] =	stream.indirect.gather [hbm4b:s6+s15], $0x20, s15, s15, $0xb8;
	[tilespmem:$0x12100] =	vst v63  }
.LBB2_2:
0x31: {  	_ =	swait.ge [sflag:s18], $0x4000  }
0x32: {  	[sflag:s18] =	ssyncset.done $0x0  }
0x33: {  	s9 =	simm.s32 $0x0;
	[sflag:s18] =	ssyncadd.s32 $0xFFFFC000  }
0x34: {  	s0 =	sshll.u32 s1, $0xB;
	v2 =	vld [tilespmem:s9+$0x800]  }
0x35: {  	s8 =	sadd.s32 s4, s0;
	v7 =	vld [tilespmem:s9+$0x810]  }
0x36: {  	s7 =	sshrl.u32 s8, $0x9;
	v6 =	vld [tilespmem:s9+$0x820]  }
0x37: {  	s7 =	sand.u32 $0x3FFFE0, s7;
	v5 =	vld [tilespmem:s9+$0x830]  }
0x38: {  	v1 =	vld [tilespmem:s7+$0x10800]  }
0x39: {  	v0 =	vld [tilespmem:s7+$0x10810]  }
0x3a: {  	v4 =	vld [tilespmem:s9+$0x840]  }
0x3b: {  	v3 =	vld [tilespmem:s9+$0x850];
	v8 =	vmul.f32 $5.656854150e+00, v2  }
0x3c: {  	s12 =	simm.s32 $0x200;
	v7 =	vmul.f32 $5.656854150e+00, v7;
	v2 =	vld [tilespmem:s9+$0x860]  }
.LBB2_3:
0x3d: {  	p0 =	sne.s32 s12, $0xFE00;
	v8 =	vadd.f32 v8, v1;
	v6 =	vmul.f32 $5.656854150e+00, v6;
	v9 =	vld [tilespmem:s9+$0x870]  }
0x3e: {  	v7 =	vadd.f32 v7, v0;
	v5 =	vmul.f32 $5.656854150e+00, v5  }
0x3f: {  	s7 =	sshra.s32 s12, $0x2;
	[tilespmem:s9+$0x800] =	vst v8;
	v6 =	vadd.f32 v6, v1;
	v4 =	vmul.f32 $5.656854150e+00, v4  }
0x40: {  	v8 =	vld [tilespmem:s7+$0x800];
	[tilespmem:s9+$0x810] =	vst v7;
	v5 =	vadd.f32 v5, v0;
	v3 =	vmul.f32 $5.656854150e+00, v3  }
0x41: {  	v7 =	vld [tilespmem:s7+$0x810];
	[tilespmem:s9+$0x820] =	vst v6;
	v4 =	vadd.f32 v4, v1;
	v2 =	vmul.f32 $5.656854150e+00, v2  }
.Ltmp2:
0x42: {  	v6 =	vld [tilespmem:s7+$0x820];
	[tilespmem:s9+$0x830] =	vst v5;
	v3 =	vadd.f32 v3, v0;
	v9 =	vmul.f32 $5.656854150e+00, v9;
	(pc) =	sbr.rel @p0 .LBB2_3-.Ltmp2, $4  }
0x43: {  	v5 =	vld [tilespmem:s7+$0x830];
	[tilespmem:s9+$0x840] =	vst v4;
	v2 =	vadd.f32 v2, v1  }
0x44: {  	v4 =	vld [tilespmem:s7+$0x840];
	[tilespmem:s9+$0x850] =	vst v3;
	v9 =	vadd.f32 v9, v0  }
0x45: {  	v8 =	vmul.f32 $5.656854150e+00, v8;
	v3 =	vld [tilespmem:s7+$0x850];
	[tilespmem:s9+$0x860] =	vst v2  }
0x46: {  	s12 =	sadd.s32 $0x200, s12;
	v7 =	vmul.f32 $5.656854150e+00, v7;
	v2 =	vld [tilespmem:s7+$0x860];
	[tilespmem:s9+$0x870] =	vst v9;
	s9 =	smov.u32 s7  }
0x47: {  	v8 =	vadd.f32 v8, v1;
	v6 =	vmul.f32 $5.656854150e+00, v6;
	v9 =	vld [tilespmem:s9+$0x870]  }
0x48: {  	v7 =	vadd.f32 v7, v0;
	v5 =	vmul.f32 $5.656854150e+00, v5  }
0x49: {  	[tilespmem:s9+$0x800] =	vst v8;
	v6 =	vadd.f32 v6, v1;
	v4 =	vmul.f32 $5.656854150e+00, v4  }
0x4a: {  	[tilespmem:s9+$0x810] =	vst v7;
	v5 =	vadd.f32 v5, v0;
	v3 =	vmul.f32 $5.656854150e+00, v3  }
0x4b: {  	[tilespmem:s9+$0x820] =	vst v6;
	v4 =	vadd.f32 v4, v1;
	v2 =	vmul.f32 $5.656854150e+00, v2  }
0x4c: {  	[tilespmem:s9+$0x830] =	vst v5;
	v3 =	vadd.f32 v3, v0;
	v5 =	vmul.f32 $5.656854150e+00, v9  }
0x4d: {  	[tilespmem:s9+$0x840] =	vst v4;
	v1 =	vadd.f32 v2, v1  }
0x4e: {  	[tilespmem:s9+$0x850] =	vst v3;
	v0 =	vadd.f32 v5, v0  }
0x4f: {  	s7 =	sshll.u32 s8, $0x2;
	[tilespmem:s9+$0x860] =	vst v1  }
0x50: {  	p0 =	seq.s32 s1, $0x0;
	s7 =	sadd.s32 s2, s7;
	[tilespmem:s9+$0x870] =	vst v0  }
0x51: {  	[hbm4b:s7+s3] =	stream.linear.scatter [tilespmem:s16], [sflag:$0x5], $0x4000, $0x38;
	[tilespmem:$0x12100] =	vst v63  }
0x52: {  	s13 =	sadd.s32 s0, s4;
	s7 =	simm.s32 @!p0 $0x7  }
0x53: {  	s8 =	sadd.s32 $0x400, s13;
	_ =	swait.ge @!p0 [sflag:s7], $0x4000  }
0x54: {  	s26 =	sshrl.u32 s8, $0x3;
	[sflag:s7] =	ssyncset.done @!p0 $0x0  }
0x55: {  	s12 =	simm.s32 $0x0;
	s9 =	sadd.s32 s5, s26;
	[sflag:s7] =	ssyncadd.s32 @!p0 $0xFFFFC000  }
0x56: {  	[tilespmem:s19], [sflag:$0x9] =	stream.linear.gather [hbm4b:s9+s12], $0x200, $0x38;
	[tilespmem:$0x12100] =	vst v63  }
0x57: {  	_ =	swait.ge [sflag:s14], $0x200  }
0x58: {  	[sflag:s14] =	ssyncset.done $0x0  }
0x59: {  	[sflag:s14] =	ssyncadd.s32 $0xFFFFFE00  }
0x5a: {  	[tilespmem:s20], [sflag:$0x3] =	stream.indirect.gather [hbm4b:s6+s15], $0x20, s19, s15, $0xb8;
	[tilespmem:$0x12100] =	vst v63  }
0x5b: {  	s9 =	sadd.s32 $0x200, s13;
	_ =	swait.ge [sflag:s21], $0x4000  }
0x5c: {  	s26 =	sshrl.u32 s9, $0x9;
	[sflag:s21] =	ssyncset.done $0x0  }
0x5d: {  	s7 =	sand.u32 $0x3FFFE0, s26;
	[sflag:s21] =	ssyncadd.s32 $0xFFFFC000  }
0x5e: {  	v1 =	vld [tilespmem:s7+$0x10800]  }
0x5f: {  	s12 =	simm.s32 $0x0;
	v0 =	vld [tilespmem:s7+$0x10810]  }
0x60: {  	v2 =	vld [tilespmem:s12+$0x4800]  }
0x61: {  	v7 =	vld [tilespmem:s12+$0x4810]  }
0x62: {  	v6 =	vld [tilespmem:s12+$0x4820]  }
0x63: {  	v5 =	vld [tilespmem:s12+$0x4830]  }
0x64: {  	v4 =	vld [tilespmem:s12+$0x4840]  }
0x65: {  	v3 =	vld [tilespmem:s12+$0x4850];
	v8 =	vmul.f32 $5.656854150e+00, v2  }
0x66: {  	s7 =	simm.s32 $0x200;
	v7 =	vmul.f32 $5.656854150e+00, v7;
	v2 =	vld [tilespmem:s12+$0x4860]  }
.LBB2_5:
0x67: {  	p1 =	sne.s32 s7, $0xFE00;
	v8 =	vadd.f32 v8, v1;
	v6 =	vmul.f32 $5.656854150e+00, v6;
	v9 =	vld [tilespmem:s12+$0x4870]  }
0x68: {  	v7 =	vadd.f32 v7, v0;
	v5 =	vmul.f32 $5.656854150e+00, v5  }
0x69: {  	s26 =	sshra.s32 s7, $0x2;
	[tilespmem:s12+$0x4800] =	vst v8;
	v6 =	vadd.f32 v6, v1;
	v4 =	vmul.f32 $5.656854150e+00, v4  }
0x6a: {  	v8 =	vld [tilespmem:s26+$0x4800];
	[tilespmem:s12+$0x4810] =	vst v7;
	v5 =	vadd.f32 v5, v0;
	v3 =	vmul.f32 $5.656854150e+00, v3  }
0x6b: {  	v7 =	vld [tilespmem:s26+$0x4810];
	[tilespmem:s12+$0x4820] =	vst v6;
	v4 =	vadd.f32 v4, v1;
	v2 =	vmul.f32 $5.656854150e+00, v2  }
.Ltmp3:
0x6c: {  	v6 =	vld [tilespmem:s26+$0x4820];
	[tilespmem:s12+$0x4830] =	vst v5;
	v3 =	vadd.f32 v3, v0;
	v9 =	vmul.f32 $5.656854150e+00, v9;
	(pc) =	sbr.rel @p1 .LBB2_5-.Ltmp3, $4  }
0x6d: {  	v5 =	vld [tilespmem:s26+$0x4830];
	[tilespmem:s12+$0x4840] =	vst v4;
	v2 =	vadd.f32 v2, v1  }
0x6e: {  	v4 =	vld [tilespmem:s26+$0x4840];
	[tilespmem:s12+$0x4850] =	vst v3;
	v9 =	vadd.f32 v9, v0  }
0x6f: {  	v8 =	vmul.f32 $5.656854150e+00, v8;
	v3 =	vld [tilespmem:s26+$0x4850];
	[tilespmem:s12+$0x4860] =	vst v2  }
0x70: {  	s7 =	sadd.s32 $0x200, s7;
	v7 =	vmul.f32 $5.656854150e+00, v7;
	v2 =	vld [tilespmem:s26+$0x4860];
	[tilespmem:s12+$0x4870] =	vst v9;
	s12 =	smov.u32 s26  }
0x71: {  	v8 =	vadd.f32 v8, v1;
	v6 =	vmul.f32 $5.656854150e+00, v6;
	v9 =	vld [tilespmem:s12+$0x4870]  }
0x72: {  	v7 =	vadd.f32 v7, v0;
	v5 =	vmul.f32 $5.656854150e+00, v5  }
0x73: {  	[tilespmem:s12+$0x4800] =	vst v8;
	v6 =	vadd.f32 v6, v1;
	v4 =	vmul.f32 $5.656854150e+00, v4  }
0x74: {  	[tilespmem:s12+$0x4810] =	vst v7;
	v5 =	vadd.f32 v5, v0;
	v3 =	vmul.f32 $5.656854150e+00, v3  }
0x75: {  	[tilespmem:s12+$0x4820] =	vst v6;
	v4 =	vadd.f32 v4, v1;
	v2 =	vmul.f32 $5.656854150e+00, v2  }
0x76: {  	[tilespmem:s12+$0x4830] =	vst v5;
	v3 =	vadd.f32 v3, v0;
	v5 =	vmul.f32 $5.656854150e+00, v9  }
0x77: {  	[tilespmem:s12+$0x4840] =	vst v4;
	v1 =	vadd.f32 v2, v1  }
0x78: {  	s7 =	sshll.u32 s9, $0x2;
	[tilespmem:s12+$0x4850] =	vst v3;
	v0 =	vadd.f32 v5, v0  }
0x79: {  	s7 =	sand.u32 $0x1FFFE800, s7;
	[tilespmem:s12+$0x4860] =	vst v1  }
0x7a: {  	s7 =	sadd.s32 s2, s7;
	[tilespmem:s12+$0x4870] =	vst v0  }
0x7b: {  	[hbm4b:s7+s3] =	stream.linear.scatter [tilespmem:s17], [sflag:$0x6], $0x4000, $0x38;
	[tilespmem:$0x12100] =	vst v63  }
0x7c: {  	s7 =	simm.s32 @!p0 $0x8  }
0x7d: {  	s13 =	sadd.s32 $0x600, s13;
	_ =	swait.ge @!p0 [sflag:s7], $0x4000  }
0x7e: {  	s26 =	sshrl.u32 s13, $0x3;
	[sflag:s7] =	ssyncset.done @!p0 $0x0  }
0x7f: {  	s9 =	sadd.s32 s5, s26;
	s12 =	simm.s32 $0x0;
	[sflag:s7] =	ssyncadd.s32 @!p0 $0xFFFFC000  }
0x80: {  	[tilespmem:s22], [sflag:$0x9] =	stream.linear.gather [hbm4b:s9+s12], $0x200, $0x38;
	[tilespmem:$0x12100] =	vst v63  }
0x81: {  	_ =	swait.ge [sflag:s14], $0x200  }
0x82: {  	[sflag:s14] =	ssyncset.done $0x0  }
0x83: {  	[sflag:s14] =	ssyncadd.s32 $0xFFFFFE00  }
0x84: {  	[tilespmem:s23], [sflag:$0x4] =	stream.indirect.gather [hbm4b:s6+s15], $0x20, s22, s15, $0xb8;
	[tilespmem:$0x12100] =	vst v63  }
0x85: {  	_ =	swait.ge [sflag:s24], $0x4000  }
0x86: {  	s26 =	sshrl.u32 s8, $0x9;
	[sflag:s24] =	ssyncset.done $0x0  }
0x87: {  	s7 =	sand.u32 $0x3FFFE0, s26;
	[sflag:s24] =	ssyncadd.s32 $0xFFFFC000  }
0x88: {  	v1 =	vld [tilespmem:s7+$0x10800]  }
0x89: {  	s9 =	simm.s32 $0x0;
	v0 =	vld [tilespmem:s7+$0x10810]  }
0x8a: {  	v2 =	vld [tilespmem:s9+$0x8800]  }
0x8b: {  	v7 =	vld [tilespmem:s9+$0x8810]  }
0x8c: {  	v6 =	vld [tilespmem:s9+$0x8820]  }
0x8d: {  	v5 =	vld [tilespmem:s9+$0x8830]  }
0x8e: {  	v4 =	vld [tilespmem:s9+$0x8840]  }
0x8f: {  	v3 =	vld [tilespmem:s9+$0x8850];
	v8 =	vmul.f32 $5.656854150e+00, v2  }
0x90: {  	s7 =	simm.s32 $0x200;
	v7 =	vmul.f32 $5.656854150e+00, v7;
	v2 =	vld [tilespmem:s9+$0x8860]  }
.LBB2_7:
0x91: {  	p0 =	sne.s32 s7, $0xFE00;
	v8 =	vadd.f32 v8, v1;
	v6 =	vmul.f32 $5.656854150e+00, v6;
	v9 =	vld [tilespmem:s9+$0x8870]  }
0x92: {  	v7 =	vadd.f32 v7, v0;
	v5 =	vmul.f32 $5.656854150e+00, v5  }
0x93: {  	s12 =	sshra.s32 s7, $0x2;
	[tilespmem:s9+$0x8800] =	vst v8;
	v6 =	vadd.f32 v6, v1;
	v4 =	vmul.f32 $5.656854150e+00, v4  }
0x94: {  	v8 =	vld [tilespmem:s12+$0x8800];
	[tilespmem:s9+$0x8810] =	vst v7;
	v5 =	vadd.f32 v5, v0;
	v3 =	vmul.f32 $5.656854150e+00, v3  }
0x95: {  	v7 =	vld [tilespmem:s12+$0x8810];
	[tilespmem:s9+$0x8820] =	vst v6;
	v4 =	vadd.f32 v4, v1;
	v2 =	vmul.f32 $5.656854150e+00, v2  }
.Ltmp4:
0x96: {  	v6 =	vld [tilespmem:s12+$0x8820];
	[tilespmem:s9+$0x8830] =	vst v5;
	v3 =	vadd.f32 v3, v0;
	v9 =	vmul.f32 $5.656854150e+00, v9;
	(pc) =	sbr.rel @p0 .LBB2_7-.Ltmp4, $4  }
0x97: {  	v5 =	vld [tilespmem:s12+$0x8830];
	[tilespmem:s9+$0x8840] =	vst v4;
	v2 =	vadd.f32 v2, v1  }
0x98: {  	v4 =	vld [tilespmem:s12+$0x8840];
	[tilespmem:s9+$0x8850] =	vst v3;
	v9 =	vadd.f32 v9, v0  }
0x99: {  	v8 =	vmul.f32 $5.656854150e+00, v8;
	v3 =	vld [tilespmem:s12+$0x8850];
	[tilespmem:s9+$0x8860] =	vst v2  }
0x9a: {  	s7 =	sadd.s32 $0x200, s7;
	v7 =	vmul.f32 $5.656854150e+00, v7;
	v2 =	vld [tilespmem:s12+$0x8860];
	[tilespmem:s9+$0x8870] =	vst v9;
	s9 =	smov.u32 s12  }
0x9b: {  	v8 =	vadd.f32 v8, v1;
	v6 =	vmul.f32 $5.656854150e+00, v6;
	v9 =	vld [tilespmem:s9+$0x8870]  }
0x9c: {  	v7 =	vadd.f32 v7, v0;
	v5 =	vmul.f32 $5.656854150e+00, v5  }
0x9d: {  	[tilespmem:s9+$0x8800] =	vst v8;
	v6 =	vadd.f32 v6, v1;
	v4 =	vmul.f32 $5.656854150e+00, v4  }
0x9e: {  	[tilespmem:s9+$0x8810] =	vst v7;
	v5 =	vadd.f32 v5, v0;
	v3 =	vmul.f32 $5.656854150e+00, v3  }
0x9f: {  	[tilespmem:s9+$0x8820] =	vst v6;
	v4 =	vadd.f32 v4, v1;
	v2 =	vmul.f32 $5.656854150e+00, v2  }
0xa0: {  	[tilespmem:s9+$0x8830] =	vst v5;
	v3 =	vadd.f32 v3, v0;
	v5 =	vmul.f32 $5.656854150e+00, v9  }
0xa1: {  	[tilespmem:s9+$0x8840] =	vst v4;
	v1 =	vadd.f32 v2, v1  }
0xa2: {  	s7 =	sshll.u32 s8, $0x2;
	[tilespmem:s9+$0x8850] =	vst v3;
	v0 =	vadd.f32 v5, v0  }
0xa3: {  	s7 =	sand.u32 $0x1FFFF000, s7;
	[tilespmem:s9+$0x8860] =	vst v1  }
0xa4: {  	p0 =	seq.s32 s1, $0x31;
	s7 =	sadd.s32 s2, s7;
	[tilespmem:s9+$0x8870] =	vst v0  }
0xa5: {  	[hbm4b:s7+s3] =	stream.linear.scatter [tilespmem:s20], [sflag:$0x7], $0x4000, $0x38;
	[tilespmem:$0x12100] =	vst v63  }
0xa6: {  	s7 =	simm.s32 @!p0 $0x5  }
0xa7: {  	s8 =	sadd.s32 @!p0 s0, s10;
	_ =	swait.ge @!p0 [sflag:s7], $0x4000  }
0xa8: {  	s8 =	sshrl.u32 @!p0 s8, $0x3;
	[sflag:s7] =	ssyncset.done @!p0 $0x0  }
0xa9: {  	[sflag:s7] =	ssyncadd.s32 @!p0 $0xFFFFC000;
	s7 =	sadd.s32 @!p0 s5, s8;
	s8 =	simm.s32 @!p0 $0x0  }
0xaa: {  	[tilespmem:s8], [sflag:$0x9] =	stream.linear.gather @!p0 [hbm4b:s7+s8], $0x200, $0x38;
	[tilespmem:$0x12100] =	vst v63  }
0xab: {  	s7 =	simm.s32 @!p0 $0x9  }
0xac: {  	_ =	swait.ge @!p0 [sflag:s7], $0x200  }
0xad: {  	[sflag:s7] =	ssyncset.done @!p0 $0x0  }
0xae: {  	s9 =	simm.s32 @!p0 $0x800;
	[sflag:s7] =	ssyncadd.s32 @!p0 $0xFFFFFE00;
	s7 =	simm.s32 @!p0 $0x200  }
0xaf: {  	[tilespmem:s9], [sflag:$0x1] =	stream.indirect.gather @!p0 [hbm4b:s6+s7], $0x20, s8, s7, $0xb8;
	[tilespmem:$0x12100] =	vst v63  }
0xb0: {  	_ =	swait.ge [sflag:s25], $0x4000  }
0xb1: {  	s26 =	sshrl.u32 s13, $0x9;
	[sflag:s25] =	ssyncset.done $0x0  }
0xb2: {  	s7 =	sand.u32 $0x3FFFE0, s26;
	[sflag:s25] =	ssyncadd.s32 $0xFFFFC000  }
0xb3: {  	v1 =	vld [tilespmem:s7+$0x10800]  }
0xb4: {  	s8 =	simm.s32 $0x0;
	v0 =	vld [tilespmem:s7+$0x10810]  }
0xb5: {  	v2 =	vld [tilespmem:s8+$0xC800]  }
0xb6: {  	v7 =	vld [tilespmem:s8+$0xC810]  }
0xb7: {  	v6 =	vld [tilespmem:s8+$0xC820]  }
0xb8: {  	v5 =	vld [tilespmem:s8+$0xC830]  }
0xb9: {  	v4 =	vld [tilespmem:s8+$0xC840]  }
0xba: {  	v3 =	vld [tilespmem:s8+$0xC850];
	v8 =	vmul.f32 $5.656854150e+00, v2  }
0xbb: {  	s7 =	simm.s32 $0x200;
	v7 =	vmul.f32 $5.656854150e+00, v7;
	v2 =	vld [tilespmem:s8+$0xC860]  }
.LBB2_9:
0xbc: {  	p1 =	sne.s32 s7, $0xFE00;
	v8 =	vadd.f32 v8, v1;
	v6 =	vmul.f32 $5.656854150e+00, v6;
	v9 =	vld [tilespmem:s8+$0xC870]  }
0xbd: {  	v7 =	vadd.f32 v7, v0;
	v5 =	vmul.f32 $5.656854150e+00, v5  }
0xbe: {  	s9 =	sshra.s32 s7, $0x2;
	[tilespmem:s8+$0xC800] =	vst v8;
	v6 =	vadd.f32 v6, v1;
	v4 =	vmul.f32 $5.656854150e+00, v4  }
0xbf: {  	v8 =	vld [tilespmem:s9+$0xC800];
	[tilespmem:s8+$0xC810] =	vst v7;
	v5 =	vadd.f32 v5, v0;
	v3 =	vmul.f32 $5.656854150e+00, v3  }
0xc0: {  	v7 =	vld [tilespmem:s9+$0xC810];
	[tilespmem:s8+$0xC820] =	vst v6;
	v4 =	vadd.f32 v4, v1;
	v2 =	vmul.f32 $5.656854150e+00, v2  }
.Ltmp5:
0xc1: {  	v6 =	vld [tilespmem:s9+$0xC820];
	[tilespmem:s8+$0xC830] =	vst v5;
	v3 =	vadd.f32 v3, v0;
	v9 =	vmul.f32 $5.656854150e+00, v9;
	(pc) =	sbr.rel @p1 .LBB2_9-.Ltmp5, $4  }
0xc2: {  	v5 =	vld [tilespmem:s9+$0xC830];
	[tilespmem:s8+$0xC840] =	vst v4;
	v2 =	vadd.f32 v2, v1  }
0xc3: {  	v4 =	vld [tilespmem:s9+$0xC840];
	[tilespmem:s8+$0xC850] =	vst v3;
	v9 =	vadd.f32 v9, v0  }
0xc4: {  	v8 =	vmul.f32 $5.656854150e+00, v8;
	v3 =	vld [tilespmem:s9+$0xC850];
	[tilespmem:s8+$0xC860] =	vst v2  }
0xc5: {  	s7 =	sadd.s32 $0x200, s7;
	v7 =	vmul.f32 $5.656854150e+00, v7;
	v2 =	vld [tilespmem:s9+$0xC860];
	[tilespmem:s8+$0xC870] =	vst v9;
	s8 =	smov.u32 s9  }
0xc6: {  	v8 =	vadd.f32 v8, v1;
	v6 =	vmul.f32 $5.656854150e+00, v6;
	v9 =	vld [tilespmem:s8+$0xC870]  }
0xc7: {  	v7 =	vadd.f32 v7, v0;
	v5 =	vmul.f32 $5.656854150e+00, v5  }
0xc8: {  	[tilespmem:s8+$0xC800] =	vst v8;
	v6 =	vadd.f32 v6, v1;
	v4 =	vmul.f32 $5.656854150e+00, v4  }
0xc9: {  	[tilespmem:s8+$0xC810] =	vst v7;
	v5 =	vadd.f32 v5, v0;
	v3 =	vmul.f32 $5.656854150e+00, v3  }
0xca: {  	[tilespmem:s8+$0xC820] =	vst v6;
	v4 =	vadd.f32 v4, v1;
	v2 =	vmul.f32 $5.656854150e+00, v2  }
0xcb: {  	[tilespmem:s8+$0xC830] =	vst v5;
	v3 =	vadd.f32 v3, v0;
	v61 =	vmul.f32 $5.656854150e+00, v9  }
.Ltmp6:
0xcc: {  	[tilespmem:s8+$0xC840] =	vst v4;
	v62 =	vadd.f32 v2, v1;
	(pc) =	sbr.rel @p0 .LBB2_12-.Ltmp6, $4  }
0xcd: {  	s7 =	sshll.u32 s13, $0x2;
	[tilespmem:s8+$0xC850] =	vst v3;
	v63 =	vadd.f32 v61, v0  }
0xce: {  	s7 =	sand.u32 $0x1FFFF800, s7;
	[tilespmem:s8+$0xC860] =	vst v62  }
0xcf: {  	s7 =	sadd.s32 s2, s7;
	[tilespmem:s8+$0xC870] =	vst v63  }
0xd0: {  	[hbm4b:s7+s3] =	stream.linear.scatter [tilespmem:s23], [sflag:$0x8], $0x4000, $0x38;
	[tilespmem:$0x12100] =	vst v63  }
0xd1: {  	s0 =	sadd.s32 s0, s11;
	_ =	swait.ge [sflag:s28], $0x4000  }
0xd2: {  	[sflag:s28] =	ssyncset.done $0x0;
	s0 =	sshrl.u32 s0, $0x3  }
0xd3: {  	[sflag:s28] =	ssyncadd.s32 $0xFFFFC000;
	s0 =	sadd.s32 s5, s0  }
0xd4: {  	[tilespmem:s15], [sflag:$0x9] =	stream.linear.gather [hbm4b:s0+s3], $0x200, $0x38;
	[tilespmem:$0x12100] =	vst v63  }
.Ltmp7:
0xd5: {  	_ = 	snop;
	(pc) =	sbr.rel .LBB2_2-.Ltmp7, $4  }
0xd6: {  	_ =	swait.ge [sflag:s14], $0x200  }
0xd7: {  	[sflag:s14] =	ssyncset.done $0x0  }
0xd8: {  	s1 =	sadd.s32 $0x1, s1;
	[sflag:s14] =	ssyncadd.s32 $0xFFFFFE00  }
0xd9: {  	[tilespmem:s17], [sflag:$0x2] =	stream.indirect.gather [hbm4b:s6+s15], $0x20, s15, s15, $0xb8;
	[tilespmem:$0x12100] =	vst v63  }
.LBB2_13:
0xda: {  	_ =	sfence.sel $0x180000  }
0xdb: {  	[bflag:$0x0] =	sbarrier.arrive $0xFFFF  }
0xdc: {  	_ =	strace $0x90000047  }
0xdd: {  	s0 =	stileid.u32;
	[bflag:$0x2] =	sbarrier.arrive $0xFFFF  }
0xde: {  	p0 =	sne.s32 s0, $0x0;
	s0 =	rddreg [dreg:$0x2]  }
0xdf: {  	s0 =	sadd.s32 @!p0 $0x100000, s0  }
0xe0: {  	[sflag:s0] =	ssyncadd.tile.s32 @!p0 $0x1;
	_ =	shalt  }
.Lfunc_end2:
_tile_overlayer_lowered:
.L_overlay_start_2:
0xe1: {  	(tag) =	ssettag $0x2  }
0xe2: {  	s0 =	rddreg [dreg:$0x0];
	s2 =	stileid.u32  }
0xe3: {  	s1 =	rddreg [dreg:$0x1];
	p0 =	sne.s32 s2, $0x0  }
0xe4: {  	s3 =	rddreg [dreg:$0x2];
	[bflag:$0x3] =	sbarrier.arrive $0xFFFF;
	s2 =	simm.s32 @!p0 $0x1C09  }
0xe5: {  	[timem:s3], [sflag:s2] =	dma.local @!p0 [hbm:s0], s1  }
0xe6: {  	s0 =	simm.s32 @!p0 $0x9  }
0xe7: {  	_ =	swait.ge @!p0 [sflag:s0], s1  }
0xe8: {  	s1 =	ssub.s32 @!p0 $0x0, s1;
	[sflag:s0] =	ssyncset.done @!p0 $0x0  }
0xe9: {  	[sflag:s0] =	ssyncadd.s32 @!p0 s1  }
0xea: {  	[bflag:$0x3] =	sbarrier.arrive $0xFFFF  }
0xeb: {  	_ =	shalt  }

// kernel: sparse-core-data-format-call.cloned.1.call-start
scs
called_computation_lowered:
.L_overlay_start_0:
0x0: {  	s2 =	sld [smem:$0x3FD9]  }
0x1: {  	s3 =	sld [smem:$0x3FFE];
	_ =	sdelay $0x1  }
0x2: {  	s1 =	srdreg.scid  }
0x3: {  	s0 =	sand.u32 $0x1, s1  }
0x4: {  	s18 =	sshll.u32 s0, $0xA;
	s2 =	sadd.s32 s3, s2  }
0x5: {  	s2 =	sadd.s32 s2, s18  }
0x6: {  	[smem:$0x3FC5] =	sst s2  }
0x7: {  	_ = 	snop  }
0x8: {  	s2 =	sld [smem:$0x3FD0];
	(tm) =	ssettm $0x1  }
0x9: {  	s19 =	sld [smem:$0x3FFB];
	_ =	sdelay $0x3  }
0xa: {  	_ =	strace s19  }
0xb: {  	s3 =	sld [smem:$0x3FFC];
	_ =	sdelay $0x3  }
0xc: {  	_ =	strace s3  }
0xd: {  	s3 =	sld [smem:$0x3FFD];
	_ =	sdelay $0x3  }
0xe: {  	_ =	strace s3  }
0xf: {  	_ =	strace $0x8FFFFFFF  }
0x10: {  	s20 =	sld [smem:$0x3FDB];
	_ =	sdelay $0x1  }
0x11: {  	s4 =	simm.s32 $_scs_section_size  }
0x12: {  	s5 =	simm.s32 $_size__tile_overlayer_lowered;
	s6 =	simm.s32 $_tile_overlayer_lowered  }
0x13: {  	s23 =	simm.s32 $0x1BFF;
	s22 =	sshll.u32 s6, $0x1;
	s3 =	sadd.s32 s4, s20  }
0x14: {  	s7 =	simm.s32 $0x0;
	s21 =	sshll.u32 s5, $0x1;
	s5 =	sadd.s32 s22, s3  }
0x15: {  	[timem:s7], [sflag:s23] =	dma.local [hbm:s5], s21  }
0x16: {  	_ =	swait.ge [sflag:s23], s21  }
0x17: {  	s4 =	ssub.s32 $0x0, s21;
	[sflag:s23] =	ssyncset.done $0x0  }
0x18: {  	[sflag:s23] =	ssyncadd.s32 s4;
	_ =	sdelay $0x1  }
0x19: {  	s24 =	simm.s32 $0x1B8B  }
0x1a: {  	_ =	swait.ge [sflag:s24], $0x1  }
0x1b: {  	[sflag:s24] =	ssyncset.done $0x0  }
0x1c: {  	s26 =	simm.s32 $0x1B8E;
	s25 =	sld [smem:$0x3FFE];
	[sflag:s24] =	ssyncadd.s32 $0xFFFFFFFF  }
0x1d: {  	s27 =	simm.s32 $execute0_lowered;
	[smem:$0x3FD2] =	sst s26  }
0x1e: {  	s5 =	sshll.u32 s27, $0x1;
	_ =	strace $0x80000049;
	[dreg:$0x1] =	wrdreg $0xFFFFFFFF  }
0x1f: {  	s28 =	simm.s32 $_size_execute0_lowered;
	s3 =	sadd.s32 s3, s5;
	[dreg:$0x0] =	wrdreg $0x0  }
0x20: {  	s5 =	sshll.u32 s28, $0x1;
	[dreg:$0x2] =	wrdreg s3  }
0x21: {  	[dreg:$0x3] =	wrdreg s5  }
0x22: {  	[dreg:$0x4] =	wrdreg $0xC0  }
0x23: {  	_ =	task [dreg:s7], $0x5FFFF  }
0x24: {  	[dreg:$0x1] =	wrdreg $0xFFFFFFFF  }
0x25: {  	[dreg:$0x0] =	wrdreg $0x60  }
0x26: {  	[dreg:$0x2] =	wrdreg s25  }
0x27: {  	[dreg:$0x3] =	wrdreg s2  }
0x28: {  	[dreg:$0x4] =	wrdreg $0x9  }
0x29: {  	_ =	task.clear_ibuf [dreg:s7], $0x5FFFF;
	_ =	strace $0x90000049  }
0x2a: {  	s29 =	simm.s32 $0x9;
	_ =	strace $0x8000004B  }
0x2b: {  	_ =	swait.ge [sflag:s29], $0x1  }
0x2c: {  	[sflag:s29] =	ssyncadd.s32 $0xFFFFFFFF  }
0x2d: {  	_ =	strace $0x9000004B  }
0x2e: {  	_ =	sfence  }
0x2f: {  	s30 =	sld [smem:$0x0];
	_ =	sdelay $0x2  }
0x30: {  	s31 =	sshll.u32 s1, $0xD;
	s1 =	sshrl.u32 s1, $0x2  }
0x31: {  	s3 =	sand.u32 $0x4000, s31;
	s1 =	sadd.s32 s1, s30  }
0x32: {  	s0 =	sor.u32 s3, s0;
	s1 =	sshll.u32 s1, $0x11  }
0x33: {  	s0 =	sor.u32 s1, s0  }
0x34: {  	s0 =	sadd.s32 $0x8F2B, s0  }
0x35: {  	[sflag:s0] =	ssyncadd.remote.s32 $0x1  }
0x36: {  	_ =	sfence.sel $0xFFFF  }
0x37: {  	[dreg:$0x0] =	wrdreg $0xFFFFFFFF;
	(pc) =	sbr.abs _section_cstart, $3  }
0x38: {  	[dreg:$0x1] =	wrdreg $0xFFFFFFFF  }
0x39: {  	_ =	task.clear_ibuf [dreg:s7], $0x2FFFF;
	_ =	strace $0x9FFFFFFF  }
0x3a: {  	(tm) =	ssettm $0x7FFFFFFF  }
0x3b: {  	_ =	shalt  }
tec
execute0_lowered:
.L_overlay_start_1:
0x0: {  	(tag) =	ssettag $0x1  }
0x1: {  	s0 =	srdreg.scid  }
0x2: {  	s1 =	sshll.u32 s0, $0x4  }
0x3: {  	s9 =	rddreg [dreg:$0x0];
	s0 =	stileid.u32;
	s1 =	sand.u32 $0x10, s1  }
0x4: {  	s3 =	rddreg [dreg:$0x1];
	s5 =	simm.s32 $0x1;
	s1 =	sor.u32 s0, s1  }
0x5: {  	s7 =	simm.s32 $0x2;
	s15 =	simm.s32 $0x0;
	s2 =	sshll.u32 s1, $0x7  }
0x6: {  	s11 =	simm.s32 $0x20000;
	s16 =	simm.s32 $0x0;
	s4 =	ssub.s32 $0x4000, s2  }
0x7: {  	s13 =	simm.s32 $0x0;
	s14 =	simm.s32 $0x0;
	s31 =	sand.u32 $0xF80, s4  }
0x8: {  	s8 =	sadd.s32 $0x80800, s9;
	s1 =	rddreg [dreg:$0x2];
	p0 =	sne.s32 s31, $0x0  }
.Ltmp0:
0x9: {  	s6 =	sshrl.u32 s4, $0xC;
	s5 =	simm.s32 @!p0 $0x0;
	(pc) =	sbr.rel .LBB1_1-.Ltmp0, $4  }
0xa: {  	_ =	strace $0x8000004A;
	s4 =	simm.s32 $0x1;
	s5 =	sadd.s32 s5, s6  }
0xb: {  	s12 =	smov.u32 s2;
	[sflag:s4] =	ssyncpa.u1 $0x0;
	s5 =	smul.u32 $0x32, s5  }
0xc: {  	[sflag:s7] =	ssyncpa.u1 $0x0;
	s7 =	sadd.s32 $0x40800, s9;
	p0 =	por $0x0, $0x0  }
0xd: {  	s6 =	sadd.s32 $0x800, s9;
	s9 =	sadd.s32 $0xC0800, s9;
	s10 =	sor.u32 $0x1, s5  }
.LBB1_7:
0xe: {  	s17 =	sadd.s32 $0x1000, s12  }
0xf: {  	s15 =	sadd.s32 $0x4, s13;
	s19 =	smov.u32 s13;
	p2 =	sgt.s32 s17, $0x3FFF  }
0x10: {  	s19 =	smov.u32 @p2 s15  }
0x11: {  	s17 =	smov.u32 @p2 s2;
	p2 =	sgt.s32 s19, $0xC7  }
0x12: {  	s19 =	simm.s32 @p2 $0x0;
	p2 =	sne.s32 s14, s10  }
.Ltmp1:
0x13: {  	p1 =	slt.u32 s14, $0x2;
	(pc) =	sbr.rel @!p2 .LBB1_8-.Ltmp1, $4  }
0x14: {  	s18 =	simm.s32 @!p1 $0x2  }
0x15: {  	s16 =	smov.u32 s13;
	p0 =	por !p0, !p0;
	_ =	swait.ge @!p1 [sflag:s18], $0x4000  }
0x16: {  	s15 =	smov.u32 s12;
	[sflag:s18] =	ssyncset.done @!p1 $0x0;
	s12 =	smov.u32 s17  }
0x17: {  	s14 =	sadd.s32 $0x1, s14;
	[sflag:s18] =	ssyncadd.s32 @!p1 $0xFFFFC000;
	s13 =	smov.u32 s19  }
.LBB1_1:
0x18: {  	p1 =	sge.u32 s14, s5  }
0x19: {  	s17 =	sxor.u32 @!p1 $0xFFFFFFFF, s14  }
0x1a: {  	s18 =	sshll.u32 @!p1 s13, $0x12;
	s19 =	sshll.u32 @!p1 s12, $0x4;
	s21 =	simm.s32 @!p1 $0x20  }
0x1b: {  	s17 =	sshll.u32 @!p1 s17, $0xE;
	s19 =	sand.u32 @!p1 $0x3FFF0, s19;
	s20 =	sadd.s32 @!p1 s6, s18  }
0x1c: {  	s22 =	simm.s32 @!p1 $0x80;
	s17 =	sand.u32 @!p1 $0x4000, s17;
	s20 =	sadd.s32 @!p1 s19, s20  }
0x1d: {  	[tilespmem:s17], [sflag:$0x1] =	stream.strided.gather @!p1 [hbm4b:s20+s21], $0x1000, s22, s21, $0x38;
	[tilespmem:$0x10100] =	vst v63  }
0x1e: {  	s20 =	sadd.s32 @!p1 s18, s7  }
0x1f: {  	s23 =	sor.u32 @!p1 $0x1000, s17;
	s20 =	sadd.s32 @!p1 s19, s20  }
0x20: {  	[tilespmem:s23], [sflag:$0x1] =	stream.strided.gather @!p1 [hbm4b:s20+s21], $0x1000, s22, s21, $0x38;
	[tilespmem:$0x10100] =	vst v63  }
0x21: {  	s20 =	sadd.s32 @!p1 s18, s8  }
0x22: {  	s23 =	sor.u32 @!p1 $0x2000, s17;
	s18 =	sadd.s32 @!p1 s18, s9;
	s20 =	sadd.s32 @!p1 s19, s20  }
0x23: {  	[tilespmem:s23], [sflag:$0x1] =	stream.strided.gather @!p1 [hbm4b:s20+s21], $0x1000, s22, s21, $0x38;
	[tilespmem:$0x10100] =	vst v63  }
0x24: {  	s31 =	sadd.s32 $0xFFFFFFFF, s14;
	s17 =	sor.u32 @!p1 $0x3000, s17;
	s18 =	sadd.s32 @!p1 s19, s18  }
0x25: {  	[tilespmem:s17], [sflag:$0x1] =	stream.strided.gather @!p1 [hbm4b:s18+s21], $0x1000, s22, s21, $0x38;
	[tilespmem:$0x10100] =	vst v63  }
0x26: {  	p1 =	sge.u32 s31, s5  }
.Ltmp2:
0x27: {  	_ = 	snop;
	(pc) =	sbr.rel @p1 .LBB1_7-.Ltmp2, $1  }
0x28: {  	_ =	sdelay $0x3  }
0x29: {  	s17 =	simm.s32 $0x1;
	s19 =	sand.u32 $0x1, s14  }
0x2a: {  	_ =	swait.ge [sflag:s4], $0x4000;
	s17 =	simm.s32 @!p0 $0x0;
	s20 =	smul.u32 $0x10200, s19  }
0x2b: {  	[sflag:s4] =	ssyncset.done $0x0;
	s18 =	smul.u32 $0x10200, s17  }
0x2c: {  	s17 =	sshll.u32 s17, $0xE;
	[sflag:s4] =	ssyncadd.s32 $0xFFFFC000  }
0x2d: {  	s19 =	sor.u32 $0x10, s17;
	s31 =	sshrl.u32 s20, $0x2;
	s18 =	sshrl.u32 s18, $0x2  }
0x2e: {  	s20 =	simm.s32 $0x0;
	s17 =	sor.u32 $0x8000, s31;
	s18 =	sor.u32 $0x8000, s18  }
.LBB1_3:
0x2f: {  	v1 =	vld [tilespmem:s19+$0x0]  }
0x30: {  	v0 =	vld [tilespmem:s19+$0xFFFFFFF0];
	_ =	sdelay $0x2  }
0x31: {  	s23 =	sadd.s32 $0x0, s18  }
0x32: {  	s21 =	simm.s32 $0x4;
	s22 =	sadd.s32 $0x20, s19;
	[tilespmem:s23+$0x810 ss:$0x81] =	vst.msk $0xffff, v1  }
.LBB1_4:
0x33: {  	v1 =	vld [tilespmem:s22+$0x0];
	p1 =	sne.s32 s21, $0x1FC;
	[tilespmem:s23+$0x0 ss:$0x81] =	vst.msk $0xffff, v0;
	s23 =	smov.u32 s21;
	s21 =	sadd.s32 $0x4, s21  }
.Ltmp3:
0x34: {  	v0 =	vld [tilespmem:s22+$0xFFFFFFF0];
	(pc) =	sbr.rel @p1 .LBB1_4-.Ltmp3, $4  }
0x35: {  	_ = 	snop  }
0x36: {  	s23 =	sshra.s32 s23, $0x2  }
0x37: {  	s23 =	sadd.s32 s23, s18  }
0x38: {  	s22 =	sadd.s32 $0x20, s22;
	[tilespmem:s23+$0x810 ss:$0x81] =	vst.msk $0xffff, v1  }
0x39: {  	s20 =	sadd.s32 $0x1, s20  }
0x3a: {  	p1 =	sne.s32 s20, $0x4  }
.Ltmp4:
0x3b: {  	_ = 	snop;
	(pc) =	sbr.rel @p1 .LBB1_3-.Ltmp4, $2  }
0x3c: {  	_ =	sdelay $0x2  }
0x3d: {  	[tilespmem:s23+$0x0 ss:$0x81] =	vst.msk $0xffff, v0;
	s18 =	sadd.s32 $0x1020, s18;
	s19 =	sadd.s32 $0x1000, s19  }
0x3e: {  	s18 =	sshll.u32 s15, $0x3;
	s19 =	sand.u32 $0x78, s15;
	s16 =	sshll.u32 s16, $0x10  }
.Ltmp5:
0x3f: {  	s30 =	sand.u32 $0xF800, s15;
	s18 =	sand.u32 $0x3C00, s18;
	(pc) =	sbr.rel .LBB1_7-.Ltmp5, $4  }
0x40: {  	s31 =	sand.u32 $0x7, s15;
	s16 =	sadd.s32 s3, s16;
	s18 =	sor.u32 s19, s18  }
0x41: {  	s15 =	sshll.u32 s31, $0x12;
	s16 =	sadd.s32 s30, s16;
	s18 =	sshrl.u32 s18, $0x3  }
0x42: {  	s15 =	sor.u32 $0x400, s15;
	s16 =	sadd.s32 s18, s16  }
0x43: {  	[hbm4b:s16+s15] =	stream.strided.scatter [tilespmem:s17], [sflag:$0x2], $0x4000, s11, s15, $0x20;
	[tilespmem:$0x10100] =	vst v63  }
.LBB1_8:
0x44: {  	_ =	sfence.sel $0x180000  }
0x45: {  	s2 =	simm.s32 $0x1;
	[bflag:$0x0] =	sbarrier.arrive $0xFFFF  }
0x46: {  	s31 =	simm.s32 $0x2;
	[sflag:s2] =	ssyncpa.u1 $0x1  }
0x47: {  	[sflag:s31] =	ssyncpa.u1 $0x1  }
0x48: {  	p0 =	sne.s32 s0, $0x0;
	_ =	strace $0x9000004A  }
0x49: {  	s0 =	sadd.s32 @!p0 $0x100000, s1;
	[bflag:$0x2] =	sbarrier.arrive $0xFFFF  }
0x4a: {  	[sflag:s0] =	ssyncadd.tile.s32 @!p0 $0x1;
	_ =	shalt  }
.Lfunc_end1:
_tile_overlayer_lowered:
.L_overlay_start_2:
0x4b: {  	(tag) =	ssettag $0x2  }
0x4c: {  	s0 =	rddreg [dreg:$0x0];
	s2 =	stileid.u32  }
0x4d: {  	s1 =	rddreg [dreg:$0x1];
	p0 =	sne.s32 s2, $0x0  }
0x4e: {  	s3 =	rddreg [dreg:$0x2];
	[bflag:$0x3] =	sbarrier.arrive $0xFFFF;
	s2 =	simm.s32 @!p0 $0x1C01  }
0x4f: {  	[timem:s3], [sflag:s2] =	dma.local @!p0 [hbm:s0], s1  }
0x50: {  	s0 =	simm.s32 @!p0 $0x1  }
0x51: {  	_ =	swait.ge @!p0 [sflag:s0], s1  }
0x52: {  	s1 =	ssub.s32 @!p0 $0x0, s1;
	[sflag:s0] =	ssyncset.done @!p0 $0x0  }
0x53: {  	[sflag:s0] =	ssyncadd.s32 @!p0 s1  }
0x54: {  	[bflag:$0x3] =	sbarrier.arrive $0xFFFF  }
0x55: {  	_ =	shalt  }

</sc_bundles>
